<compile_context>
chip_gen: v7x
topology: tpu7x:2x2x1
jax: 0.10.2.dev20260603
libtpu: 0.0.44.dev20260713+nightly
codegen_flags: <defaults>
</compile_context>

<pallas_src>
import jax
import jax.numpy as jnp
from jax import lax
from jax.experimental import pallas as pl
from jax.experimental.pallas import tpu as pltpu
from jax.experimental.pallas import tpu_sc as plsc

N_NODES_C = 10000
N_EDGES_C = 160000
H_C = 256

_NC = 2
_NS = 16
_NW = _NC * _NS
_LANES = 16

_CHUNK = 64
_EDGES_PAD = 163840
_NCHUNKS = _EDGES_PAD // _CHUNK
_NG = 4
_LOOK = 2
_HW = H_C // 2

_CPW0 = 80
_CPW1 = 80
_CPW_MAX = max(_CPW0, _CPW1)
_IDX_ROWS = _NCHUNKS + _CPW_MAX


def _bf16_bits(v):
    r = v.astype(jnp.bfloat16).astype(jnp.float32)
    return jax.lax.bitcast_convert_type(r, jnp.uint32) >> 16


def _pack_pairs(v):
    n = v.shape[1] // 2
    packed = _bf16_bits(v[:, :n]) | (_bf16_bits(v[:, n:]) << 16)
    return jax.lax.bitcast_convert_type(packed, jnp.int32)


def _unpack_pairs_f32(gi):
    gu = jax.lax.bitcast_convert_type(gi, jnp.uint32)
    lo = jax.lax.bitcast_convert_type(gu << 16, jnp.float32)
    hi = jax.lax.bitcast_convert_type(gu & jnp.uint32(0xFFFF0000), jnp.float32)
    return lo, hi


def _tables_body(x_ref, wa_ref, wb_ref, b1_ref, a_ref, b_ref):
    xb = x_ref[...]
    af = jnp.dot(xb, wa_ref[...], preferred_element_type=jnp.float32) + b1_ref[...]
    bf = jnp.dot(xb, wb_ref[...], preferred_element_type=jnp.float32)
    a_ref[...] = _pack_pairs(af)
    b_ref[...] = _pack_pairs(bf)


def _make_tables(x, wa, wb, b1r):
    n, h = x.shape
    blk = 1000
    grid = n // blk
    return pl.pallas_call(
        _tables_body,
        grid=(grid,),
        in_specs=[
            pl.BlockSpec((blk, h), lambda i: (i, 0)),
            pl.BlockSpec((h, h), lambda i: (0, 0)),
            pl.BlockSpec((h, h), lambda i: (0, 0)),
            pl.BlockSpec((1, h), lambda i: (0, 0)),
        ],
        out_specs=[
            pl.BlockSpec((blk, _HW), lambda i: (i, 0)),
            pl.BlockSpec((blk, _HW), lambda i: (i, 0)),
        ],
        out_shape=[
            jax.ShapeDtypeStruct((n, _HW), jnp.int32),
            jax.ShapeDtypeStruct((n, _HW), jnp.int32),
        ],
    )(x, wa, wb, b1r)


def _sc_gather_body(
    a_hbm,
    b_hbm,
    row_hbm,
    col_hbm,
    ga_hbm,
    gb_hbm,
    ridx,
    cidx,
    idxa,
    idxb,
    bufa,
    bufb,
    sem_a,
    sem_b,
    sem_wa,
    sem_wb,
):
    cid = lax.axis_index("c")
    sid = lax.axis_index("s")
    cpw = jnp.where(cid == 0, _CPW0, _CPW1)
    cbase = jnp.where(cid == 0, sid * _CPW0, _NS * _CPW0 + sid * _CPW1)

    pltpu.sync_copy(row_hbm.at[pl.ds(cbase, _CPW_MAX)], ridx)
    pltpu.sync_copy(col_hbm.at[pl.ds(cbase, _CPW_MAX)], cidx)

    def stage_idx(k, g):
        for j in range(_CHUNK // _LANES):
            sl = pl.ds(j * _LANES, _LANES)
            idxa[g][sl] = ridx[k, sl]
            idxb[g][sl] = cidx[k, sl]

    def start_gathers(g):
        pltpu.make_async_copy(a_hbm.at[idxa[g]], bufa[g], sem_a[g]).start()
        pltpu.make_async_copy(b_hbm.at[idxb[g]], bufb[g], sem_b[g]).start()

    def wait_gathers(g):
        pltpu.make_async_copy(a_hbm.at[idxa[g]], bufa[g], sem_a[g]).wait()
        pltpu.make_async_copy(b_hbm.at[idxb[g]], bufb[g], sem_b[g]).wait()

    def wait_wbs(g):
        pltpu.make_async_copy(bufa[g], ga_hbm.at[pl.ds(0, _CHUNK)], sem_wa[g]).wait()
        pltpu.make_async_copy(bufb[g], gb_hbm.at[pl.ds(0, _CHUNK)], sem_wb[g]).wait()

    for g in range(_LOOK):

        @pl.when(g < cpw)
        def _():
            stage_idx(g, g)
            start_gathers(g)

    def chunk_body(t, carry):
        for b in range(_NG):
            k = t * _NG + b
            wait_gathers(b)
            off = (cbase + k) * _CHUNK
            pltpu.make_async_copy(
                bufa[b], ga_hbm.at[pl.ds(off, _CHUNK)], sem_wa[b]
            ).start()
            pltpu.make_async_copy(
                bufb[b], gb_hbm.at[pl.ds(off, _CHUNK)], sem_wb[b]
            ).start()
            nxt = k + _LOOK
            s = (b + _LOOK) % _NG

            @pl.when(nxt < cpw)
            def _():
                @pl.when(nxt - _NG >= 0)
                def _():
                    wait_wbs(s)

                stage_idx(nxt, s)
                start_gathers(s)

        return carry

    lax.fori_loop(0, cpw // _NG, chunk_body, 0, unroll=False)
    for g in range(_NG):

        @pl.when(cpw > 0)
        def _():
            wait_wbs(g)


def _make_gather(a_view, b_view, row_pad, col_pad):
    mesh = plsc.VectorSubcoreMesh(
        core_axis_name="c", subcore_axis_name="s", num_cores=_NC, num_subcores=_NS
    )
    return pl.kernel(
        _sc_gather_body,
        out_type=(
            jax.ShapeDtypeStruct((_EDGES_PAD, _HW), jnp.int32),
            jax.ShapeDtypeStruct((_EDGES_PAD, _HW), jnp.int32),
        ),
        mesh=mesh,
        scratch_types=[
            pltpu.VMEM((_CPW_MAX, _CHUNK), jnp.int32),
            pltpu.VMEM((_CPW_MAX, _CHUNK), jnp.int32),
            [pltpu.VMEM((_CHUNK,), jnp.int32) for _ in range(_NG)],
            [pltpu.VMEM((_CHUNK,), jnp.int32) for _ in range(_NG)],
            [pltpu.VMEM((_CHUNK, _HW), jnp.int32) for _ in range(_NG)],
            [pltpu.VMEM((_CHUNK, _HW), jnp.int32) for _ in range(_NG)],
            [pltpu.SemaphoreType.DMA for _ in range(_NG)],
            [pltpu.SemaphoreType.DMA for _ in range(_NG)],
            [pltpu.SemaphoreType.DMA for _ in range(_NG)],
            [pltpu.SemaphoreType.DMA for _ in range(_NG)],
        ],
    )(a_view, b_view, row_pad, col_pad)


def _mlp_body(ga_ref, gb_ref, w2t_ref, b2_ref, o_ref):
    alo, ahi = _unpack_pairs_f32(ga_ref[...])
    blo, bhi = _unpack_pairs_f32(gb_ref[...])
    hlo = jnp.maximum(alo + blo, 0.0).astype(jnp.bfloat16)
    hhi = jnp.maximum(ahi + bhi, 0.0).astype(jnp.bfloat16)
    h = jnp.concatenate([hlo, hhi], axis=1)
    o_ref[...] = (
        jnp.dot(h, w2t_ref[...], preferred_element_type=jnp.float32) + b2_ref[...]
    )


def _make_mlp(ga_view, gb_view, w2t_perm, b2r, n_edges):
    h = w2t_perm.shape[0]
    blk = 1600
    grid = n_edges // blk
    return pl.pallas_call(
        _mlp_body,
        grid=(grid,),
        in_specs=[
            pl.BlockSpec((blk, _HW), lambda i: (i, 0)),
            pl.BlockSpec((blk, _HW), lambda i: (i, 0)),
            pl.BlockSpec((h, h), lambda i: (0, 0)),
            pl.BlockSpec((1, h), lambda i: (0, 0)),
        ],
        out_specs=pl.BlockSpec((blk, h), lambda i: (i, 0)),
        out_shape=jax.ShapeDtypeStruct((n_edges, h), jnp.float32),
    )(ga_view, gb_view, w2t_perm, b2r)


def kernel(x, edge_index, W1, b1, W2, b2):
    n, h = x.shape
    e = edge_index.shape[1]

    row = edge_index[0].astype(jnp.int32)
    col = edge_index[1].astype(jnp.int32)
    pad = _IDX_ROWS * _CHUNK - e
    row_pad = jnp.pad(row, (0, pad)).reshape(_IDX_ROWS, _CHUNK)
    col_pad = jnp.pad(col, (0, pad)).reshape(_IDX_ROWS, _CHUNK)

    w1t = W1.T
    wa = w1t[:h]
    wb = w1t[h:]
    w2t_perm = W2.T.astype(jnp.bfloat16)
    b1r = b1.reshape(1, h)
    b2r = b2.reshape(1, h)

    a_view, b_view = _make_tables(x, wa, wb, b1r)
    ga_view, gb_view = _make_gather(a_view, b_view, row_pad, col_pad)
    out = _make_mlp(ga_view, gb_view, w2t_perm, b2r, e)
    return out

# --- scband reference (transcript-rebuilt; emitter-appended) ---
"""Pipeline reference for scband-color-edge-model-2843268350528 (READ-ONLY COPY).

The authoritative reference and input builder live on the scoring server;
editing this copy changes nothing except your own understanding.
"""

import jax, jax.numpy as jnp
import numpy as np

N_NODES = 10000
N_EDGES = 160000
HIDDEN = 256

def setup_inputs(seed: int = 0) -> dict:
    key = jax.random.key(seed)
    kx, ke, kw1, kw2 = jax.random.split(key, 4)
    x = jax.random.normal(kx, (N_NODES, HIDDEN), dtype=jnp.float32)
    edge_index = jax.random.randint(ke, (2, N_EDGES), 0, N_NODES, dtype=jnp.int64)
    # edge_mlp: Linear(2*H -> H), ReLU, Linear(H -> H)
    W1 = jax.random.normal(kw1, (HIDDEN, 2 * HIDDEN), dtype=jnp.float32) * 0.02
    b1 = jnp.zeros((HIDDEN,), dtype=jnp.float32)
    W2 = jax.random.normal(kw2, (HIDDEN, HIDDEN), dtype=jnp.float32) * 0.02
    b2 = jnp.zeros((HIDDEN,), dtype=jnp.float32)
    return {"x": x, "edge_index": edge_index, "W1": W1, "b1": b1, "W2": W2, "b2": b2}

def reference(x, edge_index, W1, b1, W2, b2):
    row = edge_index[0]
    col = edge_index[1]
    edge_features = jnp.concatenate([jnp.take(x, row, axis=0), jnp.take(x, col, axis=0)], axis=1)
    h = jax.nn.relu(edge_features @ W1.T + b1)
    out = h @ W2.T + b2
    return out

if __name__ == "__main__":
    import jax
    _d = setup_inputs()
    print(jax.jit(kernel)(*tuple(_d.values())))

</pallas_src>

<mosaic_0001>
#map = affine_map<(d0, d1) -> (0, 0)>
module attributes {stable_mosaic.version = 14 : i64} {
  func.func @_sc_gather_body(%arg0: i32, %arg1: i32, %arg2: memref<10000x128xi32, #tpu.memory_space<hbm>>, %arg3: memref<10000x128xi32, #tpu.memory_space<hbm>>, %arg4: memref<2640x64xi32, #tpu.memory_space<hbm>>, %arg5: memref<2640x64xi32, #tpu.memory_space<hbm>>, %arg6: memref<163840x128xi32, #tpu.memory_space<hbm>>, %arg7: memref<163840x128xi32, #tpu.memory_space<hbm>>, %arg8: memref<80x64xi32, #tpu.memory_space<vmem>>, %arg9: memref<80x64xi32, #tpu.memory_space<vmem>>, %arg10: memref<64xi32, #tpu.memory_space<vmem>>, %arg11: memref<64xi32, #tpu.memory_space<vmem>>, %arg12: memref<64xi32, #tpu.memory_space<vmem>>, %arg13: memref<64xi32, #tpu.memory_space<vmem>>, %arg14: memref<64xi32, #tpu.memory_space<vmem>>, %arg15: memref<64xi32, #tpu.memory_space<vmem>>, %arg16: memref<64xi32, #tpu.memory_space<vmem>>, %arg17: memref<64xi32, #tpu.memory_space<vmem>>, %arg18: memref<64x128xi32, #tpu.memory_space<vmem>>, %arg19: memref<64x128xi32, #tpu.memory_space<vmem>>, %arg20: memref<64x128xi32, #tpu.memory_space<vmem>>, %arg21: memref<64x128xi32, #tpu.memory_space<vmem>>, %arg22: memref<64x128xi32, #tpu.memory_space<vmem>>, %arg23: memref<64x128xi32, #tpu.memory_space<vmem>>, %arg24: memref<64x128xi32, #tpu.memory_space<vmem>>, %arg25: memref<64x128xi32, #tpu.memory_space<vmem>>, %arg26: memref<!tpu.dma_semaphore, #tpu.memory_space<semaphore_mem>>, %arg27: memref<!tpu.dma_semaphore, #tpu.memory_space<semaphore_mem>>, %arg28: memref<!tpu.dma_semaphore, #tpu.memory_space<semaphore_mem>>, %arg29: memref<!tpu.dma_semaphore, #tpu.memory_space<semaphore_mem>>, %arg30: memref<!tpu.dma_semaphore, #tpu.memory_space<semaphore_mem>>, %arg31: memref<!tpu.dma_semaphore, #tpu.memory_space<semaphore_mem>>, %arg32: memref<!tpu.dma_semaphore, #tpu.memory_space<semaphore_mem>>, %arg33: memref<!tpu.dma_semaphore, #tpu.memory_space<semaphore_mem>>, %arg34: memref<!tpu.dma_semaphore, #tpu.memory_space<semaphore_mem>>, %arg35: memref<!tpu.dma_semaphore, #tpu.memory_space<semaphore_mem>>, %arg36: memref<!tpu.dma_semaphore, #tpu.memory_space<semaphore_mem>>, %arg37: memref<!tpu.dma_semaphore, #tpu.memory_space<semaphore_mem>>, %arg38: memref<!tpu.dma_semaphore, #tpu.memory_space<semaphore_mem>>, %arg39: memref<!tpu.dma_semaphore, #tpu.memory_space<semaphore_mem>>, %arg40: memref<!tpu.dma_semaphore, #tpu.memory_space<semaphore_mem>>, %arg41: memref<!tpu.dma_semaphore, #tpu.memory_space<semaphore_mem>>) attributes {dimension_semantics = [#tpu.dimension_semantics<core_parallel>, #tpu.dimension_semantics<subcore_parallel>], iteration_bounds = array<i64: 2, 16>, scalar_prefetch = 0 : i64, scratch_operands = 34 : i64, tpu.core_type = #tpu.core_type<sc_vector_subcore>, window_params = [{transform_indices = #map}, {transform_indices = #map}, {transform_indices = #map}, {transform_indices = #map}, {transform_indices = #map}, {transform_indices = #map}]} {
    %eq3A = arith.constant 0 : i32
    %eq3A_0 = arith.cmpi eq, %arg0, %eq3A : i32
    %jit3A = arith.constant 80 : i32
    %jit3A_1 = arith.constant 80 : i32
    %select_n3A = arith.select %eq3A_0, %jit3A, %jit3A_1 : i32
    %eq3A_2 = arith.constant 0 : i32
    %eq3A_3 = arith.cmpi eq, %arg0, %eq3A_2 : i32
    %mul3A = arith.constant 80 : i32
    %mul3A_4 = arith.muli %arg1, %mul3A : i32
    %mul3A_5 = arith.constant 80 : i32
    %mul3A_6 = arith.muli %arg1, %mul3A_5 : i32
    %add3A = arith.constant 1280 : i32
    %add3A_7 = arith.addi %add3A, %mul3A_6 : i32
    %select_n3A_8 = arith.select %eq3A_3, %mul3A_4, %add3A_7 : i32
    "tpu.region"() ({
      %run_scoped3A = tpu.sem_alloc : memref<!tpu.dma_semaphore, #tpu.memory_space<semaphore_mem>>
      %dma_start3A = arith.constant 0 : i32
      %dma_start3A_63 = tpu.memref_slice %arg4[%select_n3A_8, %dma_start3A] : memref<2640x64xi32, #tpu.memory_space<hbm>> -> memref<80x64xi32, #tpu.memory_space<hbm>>
      %dma_start3A_64 = arith.constant 0 : i32
      %dma_start3A_65 = tpu.memref_slice %arg4[%select_n3A_8, %dma_start3A_64] : memref<2640x64xi32, #tpu.memory_space<hbm>> -> memref<80x64xi32, #tpu.memory_space<hbm>>
      tpu.enqueue_dma source(%dma_start3A_65 : memref<80x64xi32, #tpu.memory_space<hbm>>) target(%arg8 : memref<80x64xi32, #tpu.memory_space<vmem>>) target_semaphore(%run_scoped3A : memref<!tpu.dma_semaphore, #tpu.memory_space<semaphore_mem>>)
      %dma_wait3A = arith.constant 0 : i32
      %dma_wait3A_66 = tpu.memref_slice %arg4[%select_n3A_8, %dma_wait3A] : memref<2640x64xi32, #tpu.memory_space<hbm>> -> memref<80x64xi32, #tpu.memory_space<hbm>>
      %dma_wait3A_67 = arith.constant 0 : i32
      %dma_wait3A_68 = tpu.memref_slice %arg4[%select_n3A_8, %dma_wait3A_67] : memref<2640x64xi32, #tpu.memory_space<hbm>> -> memref<80x64xi32, #tpu.memory_space<hbm>>
      tpu.wait_dma2 semaphore(%run_scoped3A : memref<!tpu.dma_semaphore, #tpu.memory_space<semaphore_mem>>) src(%dma_wait3A_68 : memref<80x64xi32, #tpu.memory_space<hbm>>) dst(%arg8 : memref<80x64xi32, #tpu.memory_space<vmem>>)
      tpu.yield
    }) : () -> ()
    "tpu.region"() ({
      %run_scoped3A = tpu.sem_alloc : memref<!tpu.dma_semaphore, #tpu.memory_space<semaphore_mem>>
      %dma_start3A = arith.constant 0 : i32
      %dma_start3A_63 = tpu.memref_slice %arg5[%select_n3A_8, %dma_start3A] : memref<2640x64xi32, #tpu.memory_space<hbm>> -> memref<80x64xi32, #tpu.memory_space<hbm>>
      %dma_start3A_64 = arith.constant 0 : i32
      %dma_start3A_65 = tpu.memref_slice %arg5[%select_n3A_8, %dma_start3A_64] : memref<2640x64xi32, #tpu.memory_space<hbm>> -> memref<80x64xi32, #tpu.memory_space<hbm>>
      tpu.enqueue_dma source(%dma_start3A_65 : memref<80x64xi32, #tpu.memory_space<hbm>>) target(%arg9 : memref<80x64xi32, #tpu.memory_space<vmem>>) target_semaphore(%run_scoped3A : memref<!tpu.dma_semaphore, #tpu.memory_space<semaphore_mem>>)
      %dma_wait3A = arith.constant 0 : i32
      %dma_wait3A_66 = tpu.memref_slice %arg5[%select_n3A_8, %dma_wait3A] : memref<2640x64xi32, #tpu.memory_space<hbm>> -> memref<80x64xi32, #tpu.memory_space<hbm>>
      %dma_wait3A_67 = arith.constant 0 : i32
      %dma_wait3A_68 = tpu.memref_slice %arg5[%select_n3A_8, %dma_wait3A_67] : memref<2640x64xi32, #tpu.memory_space<hbm>> -> memref<80x64xi32, #tpu.memory_space<hbm>>
      tpu.wait_dma2 semaphore(%run_scoped3A : memref<!tpu.dma_semaphore, #tpu.memory_space<semaphore_mem>>) src(%dma_wait3A_68 : memref<80x64xi32, #tpu.memory_space<hbm>>) dst(%arg9 : memref<80x64xi32, #tpu.memory_space<vmem>>)
      tpu.yield
    }) : () -> ()
    %gt3A = arith.constant 0 : i32
    %gt3A_9 = arith.cmpi sgt, %select_n3A, %gt3A : i32
    %convert_element_type3A = arith.extui %gt3A_9 : i1 to i32
    %cond3A = arith.constant 0 : i32
    %cond3A_10 = arith.cmpi ne, %convert_element_type3A, %cond3A : i32
    scf.if %cond3A_10 {
      %get3A = arith.constant 0 : i32
      %get3A_63 = arith.index_cast %get3A : i32 to index
      %get3A_64 = arith.constant 0 : index
      %get3A_65 = tpu.vector_load %arg8[%get3A_63, %get3A_64] {strides = array<i32>} : memref<80x64xi32, #tpu.memory_space<vmem>>, vector<1x16xi32>,
      %get3A_66 = vector.shape_cast %get3A_65 : vector<1x16xi32> to vector<16xi32>
      %swap3A = arith.constant 0 : index
      %swap3A_67 = tpu.vector_load %arg10[%swap3A] {strides = array<i32>} : memref<64xi32, #tpu.memory_space<vmem>>, vector<16xi32>,
      %swap3A_68 = vector.shape_cast %swap3A_67 : vector<16xi32> to vector<16xi32>
      %swap3A_69 = vector.shape_cast %get3A_66 : vector<16xi32> to vector<16xi32>
      tpu.vector_store %arg10[%swap3A], %swap3A_69 {strides = array<i32>} : memref<64xi32, #tpu.memory_space<vmem>>, vector<16xi32>,
      %get3A_70 = arith.constant 0 : i32
      %get3A_71 = arith.index_cast %get3A_70 : i32 to index
      %get3A_72 = arith.constant 0 : index
      %get3A_73 = tpu.vector_load %arg9[%get3A_71, %get3A_72] {strides = array<i32>} : memref<80x64xi32, #tpu.memory_space<vmem>>, vector<1x16xi32>,
      %get3A_74 = vector.shape_cast %get3A_73 : vector<1x16xi32> to vector<16xi32>
      %swap3A_75 = arith.constant 0 : index
      %swap3A_76 = tpu.vector_load %arg14[%swap3A_75] {strides = array<i32>} : memref<64xi32, #tpu.memory_space<vmem>>, vector<16xi32>,
      %swap3A_77 = vector.shape_cast %swap3A_76 : vector<16xi32> to vector<16xi32>
      %swap3A_78 = vector.shape_cast %get3A_74 : vector<16xi32> to vector<16xi32>
      tpu.vector_store %arg14[%swap3A_75], %swap3A_78 {strides = array<i32>} : memref<64xi32, #tpu.memory_space<vmem>>, vector<16xi32>,
      %get3A_79 = arith.constant 0 : i32
      %get3A_80 = arith.index_cast %get3A_79 : i32 to index
      %get3A_81 = arith.constant 16 : index
      %get3A_82 = tpu.vector_load %arg8[%get3A_80, %get3A_81] {strides = array<i32>} : memref<80x64xi32, #tpu.memory_space<vmem>>, vector<1x16xi32>,
      %get3A_83 = vector.shape_cast %get3A_82 : vector<1x16xi32> to vector<16xi32>
      %swap3A_84 = arith.constant 16 : index
      %swap3A_85 = tpu.vector_load %arg10[%swap3A_84] {strides = array<i32>} : memref<64xi32, #tpu.memory_space<vmem>>, vector<16xi32>,
      %swap3A_86 = vector.shape_cast %swap3A_85 : vector<16xi32> to vector<16xi32>
      %swap3A_87 = vector.shape_cast %get3A_83 : vector<16xi32> to vector<16xi32>
      tpu.vector_store %arg10[%swap3A_84], %swap3A_87 {strides = array<i32>} : memref<64xi32, #tpu.memory_space<vmem>>, vector<16xi32>,
      %get3A_88 = arith.constant 0 : i32
      %get3A_89 = arith.index_cast %get3A_88 : i32 to index
      %get3A_90 = arith.constant 16 : index
      %get3A_91 = tpu.vector_load %arg9[%get3A_89, %get3A_90] {strides = array<i32>} : memref<80x64xi32, #tpu.memory_space<vmem>>, vector<1x16xi32>,
      %get3A_92 = vector.shape_cast %get3A_91 : vector<1x16xi32> to vector<16xi32>
      %swap3A_93 = arith.constant 16 : index
      %swap3A_94 = tpu.vector_load %arg14[%swap3A_93] {strides = array<i32>} : memref<64xi32, #tpu.memory_space<vmem>>, vector<16xi32>,
      %swap3A_95 = vector.shape_cast %swap3A_94 : vector<16xi32> to vector<16xi32>
      %swap3A_96 = vector.shape_cast %get3A_92 : vector<16xi32> to vector<16xi32>
      tpu.vector_store %arg14[%swap3A_93], %swap3A_96 {strides = array<i32>} : memref<64xi32, #tpu.memory_space<vmem>>, vector<16xi32>,
      %get3A_97 = arith.constant 0 : i32
      %get3A_98 = arith.index_cast %get3A_97 : i32 to index
      %get3A_99 = arith.constant 32 : index
      %get3A_100 = tpu.vector_load %arg8[%get3A_98, %get3A_99] {strides = array<i32>} : memref<80x64xi32, #tpu.memory_space<vmem>>, vector<1x16xi32>,
      %get3A_101 = vector.shape_cast %get3A_100 : vector<1x16xi32> to vector<16xi32>
      %swap3A_102 = arith.constant 32 : index
      %swap3A_103 = tpu.vector_load %arg10[%swap3A_102] {strides = array<i32>} : memref<64xi32, #tpu.memory_space<vmem>>, vector<16xi32>,
      %swap3A_104 = vector.shape_cast %swap3A_103 : vector<16xi32> to vector<16xi32>
      %swap3A_105 = vector.shape_cast %get3A_101 : vector<16xi32> to vector<16xi32>
      tpu.vector_store %arg10[%swap3A_102], %swap3A_105 {strides = array<i32>} : memref<64xi32, #tpu.memory_space<vmem>>, vector<16xi32>,
      %get3A_106 = arith.constant 0 : i32
      %get3A_107 = arith.index_cast %get3A_106 : i32 to index
      %get3A_108 = arith.constant 32 : index
      %get3A_109 = tpu.vector_load %arg9[%get3A_107, %get3A_108] {strides = array<i32>} : memref<80x64xi32, #tpu.memory_space<vmem>>, vector<1x16xi32>,
      %get3A_110 = vector.shape_cast %get3A_109 : vector<1x16xi32> to vector<16xi32>
      %swap3A_111 = arith.constant 32 : index
      %swap3A_112 = tpu.vector_load %arg14[%swap3A_111] {strides = array<i32>} : memref<64xi32, #tpu.memory_space<vmem>>, vector<16xi32>,
      %swap3A_113 = vector.shape_cast %swap3A_112 : vector<16xi32> to vector<16xi32>
      %swap3A_114 = vector.shape_cast %get3A_110 : vector<16xi32> to vector<16xi32>
      tpu.vector_store %arg14[%swap3A_111], %swap3A_114 {strides = array<i32>} : memref<64xi32, #tpu.memory_space<vmem>>, vector<16xi32>,
      %get3A_115 = arith.constant 0 : i32
      %get3A_116 = arith.index_cast %get3A_115 : i32 to index
      %get3A_117 = arith.constant 48 : index
      %get3A_118 = tpu.vector_load %arg8[%get3A_116, %get3A_117] {strides = array<i32>} : memref<80x64xi32, #tpu.memory_space<vmem>>, vector<1x16xi32>,
      %get3A_119 = vector.shape_cast %get3A_118 : vector<1x16xi32> to vector<16xi32>
      %swap3A_120 = arith.constant 48 : index
      %swap3A_121 = tpu.vector_load %arg10[%swap3A_120] {strides = array<i32>} : memref<64xi32, #tpu.memory_space<vmem>>, vector<16xi32>,
      %swap3A_122 = vector.shape_cast %swap3A_121 : vector<16xi32> to vector<16xi32>
      %swap3A_123 = vector.shape_cast %get3A_119 : vector<16xi32> to vector<16xi32>
      tpu.vector_store %arg10[%swap3A_120], %swap3A_123 {strides = array<i32>} : memref<64xi32, #tpu.memory_space<vmem>>, vector<16xi32>,
      %get3A_124 = arith.constant 0 : i32
      %get3A_125 = arith.index_cast %get3A_124 : i32 to index
      %get3A_126 = arith.constant 48 : index
      %get3A_127 = tpu.vector_load %arg9[%get3A_125, %get3A_126] {strides = array<i32>} : memref<80x64xi32, #tpu.memory_space<vmem>>, vector<1x16xi32>,
      %get3A_128 = vector.shape_cast %get3A_127 : vector<1x16xi32> to vector<16xi32>
      %swap3A_129 = arith.constant 48 : index
      %swap3A_130 = tpu.vector_load %arg14[%swap3A_129] {strides = array<i32>} : memref<64xi32, #tpu.memory_space<vmem>>, vector<16xi32>,
      %swap3A_131 = vector.shape_cast %swap3A_130 : vector<16xi32> to vector<16xi32>
      %swap3A_132 = vector.shape_cast %get3A_128 : vector<16xi32> to vector<16xi32>
      tpu.vector_store %arg14[%swap3A_129], %swap3A_132 {strides = array<i32>} : memref<64xi32, #tpu.memory_space<vmem>>, vector<16xi32>,
      %dma_start3A = arith.constant 0 : i32
      %dma_start3A_133 = arith.constant 0 : i32
      %dma_start3A_134 = tpu.memref_slice %arg2[%dma_start3A, %dma_start3A_133] : memref<10000x128xi32, #tpu.memory_space<hbm>> -> memref<10000x128xi32, #tpu.memory_space<hbm>>
      tpu.enqueue_indirect_dma source(%dma_start3A_134 : memref<10000x128xi32, #tpu.memory_space<hbm>>) target(%arg18 : memref<64x128xi32, #tpu.memory_space<vmem>>) offsets(%arg10 : memref<64xi32, #tpu.memory_space<vmem>>) semaphore(%arg26 : memref<!tpu.dma_semaphore, #tpu.memory_space<semaphore_mem>>)
      %dma_start3A_135 = arith.constant 0 : i32
      %dma_start3A_136 = arith.constant 0 : i32
      %dma_start3A_137 = tpu.memref_slice %arg3[%dma_start3A_135, %dma_start3A_136] : memref<10000x128xi32, #tpu.memory_space<hbm>> -> memref<10000x128xi32, #tpu.memory_space<hbm>>
      tpu.enqueue_indirect_dma source(%dma_start3A_137 : memref<10000x128xi32, #tpu.memory_space<hbm>>) target(%arg22 : memref<64x128xi32, #tpu.memory_space<vmem>>) offsets(%arg14 : memref<64xi32, #tpu.memory_space<vmem>>) semaphore(%arg30 : memref<!tpu.dma_semaphore, #tpu.memory_space<semaphore_mem>>)
    } else {
    }
    %gt3A_11 = arith.constant 1 : i32
    %gt3A_12 = arith.cmpi sgt, %select_n3A, %gt3A_11 : i32
    %convert_element_type3A_13 = arith.extui %gt3A_12 : i1 to i32
    %cond3A_14 = arith.constant 0 : i32
    %cond3A_15 = arith.cmpi ne, %convert_element_type3A_13, %cond3A_14 : i32
    scf.if %cond3A_15 {
      %get3A = arith.constant 1 : i32
      %get3A_63 = arith.index_cast %get3A : i32 to index
      %get3A_64 = arith.constant 0 : index
      %get3A_65 = tpu.vector_load %arg8[%get3A_63, %get3A_64] {strides = array<i32>} : memref<80x64xi32, #tpu.memory_space<vmem>>, vector<1x16xi32>,
      %get3A_66 = vector.shape_cast %get3A_65 : vector<1x16xi32> to vector<16xi32>
      %swap3A = arith.constant 0 : index
      %swap3A_67 = tpu.vector_load %arg11[%swap3A] {strides = array<i32>} : memref<64xi32, #tpu.memory_space<vmem>>, vector<16xi32>,
      %swap3A_68 = vector.shape_cast %swap3A_67 : vector<16xi32> to vector<16xi32>
      %swap3A_69 = vector.shape_cast %get3A_66 : vector<16xi32> to vector<16xi32>
      tpu.vector_store %arg11[%swap3A], %swap3A_69 {strides = array<i32>} : memref<64xi32, #tpu.memory_space<vmem>>, vector<16xi32>,
      %get3A_70 = arith.constant 1 : i32
      %get3A_71 = arith.index_cast %get3A_70 : i32 to index
      %get3A_72 = arith.constant 0 : index
      %get3A_73 = tpu.vector_load %arg9[%get3A_71, %get3A_72] {strides = array<i32>} : memref<80x64xi32, #tpu.memory_space<vmem>>, vector<1x16xi32>,
      %get3A_74 = vector.shape_cast %get3A_73 : vector<1x16xi32> to vector<16xi32>
      %swap3A_75 = arith.constant 0 : index
      %swap3A_76 = tpu.vector_load %arg15[%swap3A_75] {strides = array<i32>} : memref<64xi32, #tpu.memory_space<vmem>>, vector<16xi32>,
      %swap3A_77 = vector.shape_cast %swap3A_76 : vector<16xi32> to vector<16xi32>
      %swap3A_78 = vector.shape_cast %get3A_74 : vector<16xi32> to vector<16xi32>
      tpu.vector_store %arg15[%swap3A_75], %swap3A_78 {strides = array<i32>} : memref<64xi32, #tpu.memory_space<vmem>>, vector<16xi32>,
      %get3A_79 = arith.constant 1 : i32
      %get3A_80 = arith.index_cast %get3A_79 : i32 to index
      %get3A_81 = arith.constant 16 : index
      %get3A_82 = tpu.vector_load %arg8[%get3A_80, %get3A_81] {strides = array<i32>} : memref<80x64xi32, #tpu.memory_space<vmem>>, vector<1x16xi32>,
      %get3A_83 = vector.shape_cast %get3A_82 : vector<1x16xi32> to vector<16xi32>
      %swap3A_84 = arith.constant 16 : index
      %swap3A_85 = tpu.vector_load %arg11[%swap3A_84] {strides = array<i32>} : memref<64xi32, #tpu.memory_space<vmem>>, vector<16xi32>,
      %swap3A_86 = vector.shape_cast %swap3A_85 : vector<16xi32> to vector<16xi32>
      %swap3A_87 = vector.shape_cast %get3A_83 : vector<16xi32> to vector<16xi32>
      tpu.vector_store %arg11[%swap3A_84], %swap3A_87 {strides = array<i32>} : memref<64xi32, #tpu.memory_space<vmem>>, vector<16xi32>,
      %get3A_88 = arith.constant 1 : i32
      %get3A_89 = arith.index_cast %get3A_88 : i32 to index
      %get3A_90 = arith.constant 16 : index
      %get3A_91 = tpu.vector_load %arg9[%get3A_89, %get3A_90] {strides = array<i32>} : memref<80x64xi32, #tpu.memory_space<vmem>>, vector<1x16xi32>,
      %get3A_92 = vector.shape_cast %get3A_91 : vector<1x16xi32> to vector<16xi32>
      %swap3A_93 = arith.constant 16 : index
      %swap3A_94 = tpu.vector_load %arg15[%swap3A_93] {strides = array<i32>} : memref<64xi32, #tpu.memory_space<vmem>>, vector<16xi32>,
      %swap3A_95 = vector.shape_cast %swap3A_94 : vector<16xi32> to vector<16xi32>
      %swap3A_96 = vector.shape_cast %get3A_92 : vector<16xi32> to vector<16xi32>
      tpu.vector_store %arg15[%swap3A_93], %swap3A_96 {strides = array<i32>} : memref<64xi32, #tpu.memory_space<vmem>>, vector<16xi32>,
      %get3A_97 = arith.constant 1 : i32
      %get3A_98 = arith.index_cast %get3A_97 : i32 to index
      %get3A_99 = arith.constant 32 : index
      %get3A_100 = tpu.vector_load %arg8[%get3A_98, %get3A_99] {strides = array<i32>} : memref<80x64xi32, #tpu.memory_space<vmem>>, vector<1x16xi32>,
      %get3A_101 = vector.shape_cast %get3A_100 : vector<1x16xi32> to vector<16xi32>
      %swap3A_102 = arith.constant 32 : index
      %swap3A_103 = tpu.vector_load %arg11[%swap3A_102] {strides = array<i32>} : memref<64xi32, #tpu.memory_space<vmem>>, vector<16xi32>,
      %swap3A_104 = vector.shape_cast %swap3A_103 : vector<16xi32> to vector<16xi32>
      %swap3A_105 = vector.shape_cast %get3A_101 : vector<16xi32> to vector<16xi32>
      tpu.vector_store %arg11[%swap3A_102], %swap3A_105 {strides = array<i32>} : memref<64xi32, #tpu.memory_space<vmem>>, vector<16xi32>,
      %get3A_106 = arith.constant 1 : i32
      %get3A_107 = arith.index_cast %get3A_106 : i32 to index
      %get3A_108 = arith.constant 32 : index
      %get3A_109 = tpu.vector_load %arg9[%get3A_107, %get3A_108] {strides = array<i32>} : memref<80x64xi32, #tpu.memory_space<vmem>>, vector<1x16xi32>,
      %get3A_110 = vector.shape_cast %get3A_109 : vector<1x16xi32> to vector<16xi32>
      %swap3A_111 = arith.constant 32 : index
      %swap3A_112 = tpu.vector_load %arg15[%swap3A_111] {strides = array<i32>} : memref<64xi32, #tpu.memory_space<vmem>>, vector<16xi32>,
      %swap3A_113 = vector.shape_cast %swap3A_112 : vector<16xi32> to vector<16xi32>
      %swap3A_114 = vector.shape_cast %get3A_110 : vector<16xi32> to vector<16xi32>
      tpu.vector_store %arg15[%swap3A_111], %swap3A_114 {strides = array<i32>} : memref<64xi32, #tpu.memory_space<vmem>>, vector<16xi32>,
      %get3A_115 = arith.constant 1 : i32
      %get3A_116 = arith.index_cast %get3A_115 : i32 to index
      %get3A_117 = arith.constant 48 : index
      %get3A_118 = tpu.vector_load %arg8[%get3A_116, %get3A_117] {strides = array<i32>} : memref<80x64xi32, #tpu.memory_space<vmem>>, vector<1x16xi32>,
      %get3A_119 = vector.shape_cast %get3A_118 : vector<1x16xi32> to vector<16xi32>
      %swap3A_120 = arith.constant 48 : index
      %swap3A_121 = tpu.vector_load %arg11[%swap3A_120] {strides = array<i32>} : memref<64xi32, #tpu.memory_space<vmem>>, vector<16xi32>,
      %swap3A_122 = vector.shape_cast %swap3A_121 : vector<16xi32> to vector<16xi32>
      %swap3A_123 = vector.shape_cast %get3A_119 : vector<16xi32> to vector<16xi32>
      tpu.vector_store %arg11[%swap3A_120], %swap3A_123 {strides = array<i32>} : memref<64xi32, #tpu.memory_space<vmem>>, vector<16xi32>,
      %get3A_124 = arith.constant 1 : i32
      %get3A_125 = arith.index_cast %get3A_124 : i32 to index
      %get3A_126 = arith.constant 48 : index
      %get3A_127 = tpu.vector_load %arg9[%get3A_125, %get3A_126] {strides = array<i32>} : memref<80x64xi32, #tpu.memory_space<vmem>>, vector<1x16xi32>,
      %get3A_128 = vector.shape_cast %get3A_127 : vector<1x16xi32> to vector<16xi32>
      %swap3A_129 = arith.constant 48 : index
      %swap3A_130 = tpu.vector_load %arg15[%swap3A_129] {strides = array<i32>} : memref<64xi32, #tpu.memory_space<vmem>>, vector<16xi32>,
      %swap3A_131 = vector.shape_cast %swap3A_130 : vector<16xi32> to vector<16xi32>
      %swap3A_132 = vector.shape_cast %get3A_128 : vector<16xi32> to vector<16xi32>
      tpu.vector_store %arg15[%swap3A_129], %swap3A_132 {strides = array<i32>} : memref<64xi32, #tpu.memory_space<vmem>>, vector<16xi32>,
      %dma_start3A = arith.constant 0 : i32
      %dma_start3A_133 = arith.constant 0 : i32
      %dma_start3A_134 = tpu.memref_slice %arg2[%dma_start3A, %dma_start3A_133] : memref<10000x128xi32, #tpu.memory_space<hbm>> -> memref<10000x128xi32, #tpu.memory_space<hbm>>
      tpu.enqueue_indirect_dma source(%dma_start3A_134 : memref<10000x128xi32, #tpu.memory_space<hbm>>) target(%arg19 : memref<64x128xi32, #tpu.memory_space<vmem>>) offsets(%arg11 : memref<64xi32, #tpu.memory_space<vmem>>) semaphore(%arg27 : memref<!tpu.dma_semaphore, #tpu.memory_space<semaphore_mem>>)
      %dma_start3A_135 = arith.constant 0 : i32
      %dma_start3A_136 = arith.constant 0 : i32
      %dma_start3A_137 = tpu.memref_slice %arg3[%dma_start3A_135, %dma_start3A_136] : memref<10000x128xi32, #tpu.memory_space<hbm>> -> memref<10000x128xi32, #tpu.memory_space<hbm>>
      tpu.enqueue_indirect_dma source(%dma_start3A_137 : memref<10000x128xi32, #tpu.memory_space<hbm>>) target(%arg23 : memref<64x128xi32, #tpu.memory_space<vmem>>) offsets(%arg15 : memref<64xi32, #tpu.memory_space<vmem>>) semaphore(%arg31 : memref<!tpu.dma_semaphore, #tpu.memory_space<semaphore_mem>>)
    } else {
    }
    %jit3A_16 = arith.constant 4 : i32
    %div3A = arith.divsi %select_n3A, %jit3A_16 : i32
    %sign3A = arith.constant 0 : i32
    %sign3A_17 = arith.cmpi sgt, %select_n3A, %sign3A : i32
    %sign3A_18 = arith.extui %sign3A_17 : i1 to i32
    %sign3A_19 = arith.constant 0 : i32
    %sign3A_20 = arith.cmpi slt, %select_n3A, %sign3A_19 : i32
    %sign3A_21 = arith.extui %sign3A_20 : i1 to i32
    %sign3A_22 = arith.subi %sign3A_18, %sign3A_21 : i32
    %sign3A_23 = arith.constant 0 : i32
    %sign3A_24 = arith.cmpi sgt, %jit3A_16, %sign3A_23 : i32
    %sign3A_25 = arith.extui %sign3A_24 : i1 to i32
    %sign3A_26 = arith.constant 0 : i32
    %sign3A_27 = arith.cmpi slt, %jit3A_16, %sign3A_26 : i32
    %sign3A_28 = arith.extui %sign3A_27 : i1 to i32
    %sign3A_29 = arith.subi %sign3A_25, %sign3A_28 : i32
    %ne3A = arith.cmpi ne, %sign3A_22, %sign3A_29 : i32
    %rem3A = arith.remsi %select_n3A, %jit3A_16 : i32
    %ne3A_30 = arith.constant 0 : i32
    %ne3A_31 = arith.cmpi ne, %rem3A, %ne3A_30 : i32
    %and3A = arith.andi %ne3A, %ne3A_31 : i1
    %sub3A = arith.constant 1 : i32
    %sub3A_32 = arith.subi %div3A, %sub3A : i32
    %select_n3A_33 = arith.select %and3A, %sub3A_32, %div3A : i32
    %while3A = arith.constant 0 : i32
    %while3A_34 = arith.constant 0 : i32
    %while3A_35 = arith.subi %select_n3A_33, %while3A_34 : i32
    %while3A_36 = arith.addi %while3A_34, %while3A_35 : i32
    %while3A_37 = arith.constant 1 : i32
    %while3A_38 = arith.divsi %while3A_35, %while3A_37 : i32
    %while3A_39 = arith.muli %while3A_38, %while3A_37 : i32
    %while3A_40 = arith.addi %while3A_34, %while3A_39 : i32
    %while3A_41 = arith.constant 1 : i32
    scf.for %while3A_63 = %while3A_34 to %while3A_40 step %while3A_41  : i32 {
      %mul3A_64 = arith.constant 4 : i32
      %mul3A_65 = arith.muli %while3A_63, %mul3A_64 : i32
      %add3A_66 = arith.constant 0 : i32
      %add3A_67 = arith.addi %mul3A_65, %add3A_66 : i32
      %dma_wait3A = arith.constant 0 : i32
      %dma_wait3A_68 = arith.constant 0 : i32
      %dma_wait3A_69 = tpu.memref_slice %arg2[%dma_wait3A, %dma_wait3A_68] : memref<10000x128xi32, #tpu.memory_space<hbm>> -> memref<10000x128xi32, #tpu.memory_space<hbm>>
      tpu.wait_indirect_dma semaphore(%arg26 : memref<!tpu.dma_semaphore, #tpu.memory_space<semaphore_mem>>) src(%dma_wait3A_69 : memref<10000x128xi32, #tpu.memory_space<hbm>>) dst(%arg18 : memref<64x128xi32, #tpu.memory_space<vmem>>)
      %dma_wait3A_70 = arith.constant 0 : i32
      %dma_wait3A_71 = arith.constant 0 : i32
      %dma_wait3A_72 = tpu.memref_slice %arg3[%dma_wait3A_70, %dma_wait3A_71] : memref<10000x128xi32, #tpu.memory_space<hbm>> -> memref<10000x128xi32, #tpu.memory_space<hbm>>
      tpu.wait_indirect_dma semaphore(%arg30 : memref<!tpu.dma_semaphore, #tpu.memory_space<semaphore_mem>>) src(%dma_wait3A_72 : memref<10000x128xi32, #tpu.memory_space<hbm>>) dst(%arg22 : memref<64x128xi32, #tpu.memory_space<vmem>>)
      %add3A_73 = arith.addi %select_n3A_8, %add3A_67 : i32
      %mul3A_74 = arith.constant 64 : i32
      %mul3A_75 = arith.muli %add3A_73, %mul3A_74 : i32
      %dma_start3A = arith.constant 0 : i32
      %dma_start3A_76 = tpu.memref_slice %arg6[%mul3A_75, %dma_start3A] : memref<163840x128xi32, #tpu.memory_space<hbm>> -> memref<64x128xi32, #tpu.memory_space<hbm>>
      %dma_start3A_77 = arith.constant 0 : i32
      %dma_start3A_78 = tpu.memref_slice %arg6[%mul3A_75, %dma_start3A_77] : memref<163840x128xi32, #tpu.memory_space<hbm>> -> memref<64x128xi32, #tpu.memory_space<hbm>>
      tpu.enqueue_dma source(%arg18 : memref<64x128xi32, #tpu.memory_space<vmem>>) target(%dma_start3A_78 : memref<64x128xi32, #tpu.memory_space<hbm>>) target_semaphore(%arg34 : memref<!tpu.dma_semaphore, #tpu.memory_space<semaphore_mem>>)
      %dma_start3A_79 = arith.constant 0 : i32
      %dma_start3A_80 = tpu.memref_slice %arg7[%mul3A_75, %dma_start3A_79] : memref<163840x128xi32, #tpu.memory_space<hbm>> -> memref<64x128xi32, #tpu.memory_space<hbm>>
      %dma_start3A_81 = arith.constant 0 : i32
      %dma_start3A_82 = tpu.memref_slice %arg7[%mul3A_75, %dma_start3A_81] : memref<163840x128xi32, #tpu.memory_space<hbm>> -> memref<64x128xi32, #tpu.memory_space<hbm>>
      tpu.enqueue_dma source(%arg22 : memref<64x128xi32, #tpu.memory_space<vmem>>) target(%dma_start3A_82 : memref<64x128xi32, #tpu.memory_space<hbm>>) target_semaphore(%arg38 : memref<!tpu.dma_semaphore, #tpu.memory_space<semaphore_mem>>)
      %add3A_83 = arith.constant 2 : i32
      %add3A_84 = arith.addi %add3A_67, %add3A_83 : i32
      %lt3A = arith.cmpi slt, %add3A_84, %select_n3A : i32
      %convert_element_type3A_85 = arith.extui %lt3A : i1 to i32
      %cond3A_86 = arith.constant 0 : i32
      %cond3A_87 = arith.cmpi ne, %convert_element_type3A_85, %cond3A_86 : i32
      scf.if %cond3A_87 {
        %sub3A_169 = arith.constant 4 : i32
        %sub3A_170 = arith.subi %add3A_84, %sub3A_169 : i32
        %ge3A = arith.constant 0 : i32
        %ge3A_171 = arith.cmpi sge, %sub3A_170, %ge3A : i32
        %convert_element_type3A_172 = arith.extui %ge3A_171 : i1 to i32
        %cond3A_173 = arith.constant 0 : i32
        %cond3A_174 = arith.cmpi ne, %convert_element_type3A_172, %cond3A_173 : i32
        scf.if %cond3A_174 {
          %dma_wait3A_243 = arith.constant 0 : i32
          %dma_wait3A_244 = arith.constant 0 : i32
          %dma_wait3A_245 = tpu.memref_slice %arg6[%dma_wait3A_243, %dma_wait3A_244] : memref<163840x128xi32, #tpu.memory_space<hbm>> -> memref<64x128xi32, #tpu.memory_space<hbm>>
          %dma_wait3A_246 = arith.constant 0 : i32
          %dma_wait3A_247 = arith.constant 0 : i32
          %dma_wait3A_248 = tpu.memref_slice %arg6[%dma_wait3A_246, %dma_wait3A_247] : memref<163840x128xi32, #tpu.memory_space<hbm>> -> memref<64x128xi32, #tpu.memory_space<hbm>>
          tpu.wait_dma2 semaphore(%arg36 : memref<!tpu.dma_semaphore, #tpu.memory_space<semaphore_mem>>) src(%arg20 : memref<64x128xi32, #tpu.memory_space<vmem>>) dst(%dma_wait3A_248 : memref<64x128xi32, #tpu.memory_space<hbm>>)
          %dma_wait3A_249 = arith.constant 0 : i32
          %dma_wait3A_250 = arith.constant 0 : i32
          %dma_wait3A_251 = tpu.memref_slice %arg7[%dma_wait3A_249, %dma_wait3A_250] : memref<163840x128xi32, #tpu.memory_space<hbm>> -> memref<64x128xi32, #tpu.memory_space<hbm>>
          %dma_wait3A_252 = arith.constant 0 : i32
          %dma_wait3A_253 = arith.constant 0 : i32
          %dma_wait3A_254 = tpu.memref_slice %arg7[%dma_wait3A_252, %dma_wait3A_253] : memref<163840x128xi32, #tpu.memory_space<hbm>> -> memref<64x128xi32, #tpu.memory_space<hbm>>
          tpu.wait_dma2 semaphore(%arg40 : memref<!tpu.dma_semaphore, #tpu.memory_space<semaphore_mem>>) src(%arg24 : memref<64x128xi32, #tpu.memory_space<vmem>>) dst(%dma_wait3A_254 : memref<64x128xi32, #tpu.memory_space<hbm>>)
        } else {
        }
        %get3A = arith.index_cast %add3A_84 : i32 to index
        %get3A_175 = arith.constant 0 : index
        %get3A_176 = tpu.vector_load %arg8[%get3A, %get3A_175] {strides = array<i32>} : memref<80x64xi32, #tpu.memory_space<vmem>>, vector<1x16xi32>,
        %get3A_177 = vector.shape_cast %get3A_176 : vector<1x16xi32> to vector<16xi32>
        %swap3A = arith.constant 0 : index
        %swap3A_178 = tpu.vector_load %arg12[%swap3A] {strides = array<i32>} : memref<64xi32, #tpu.memory_space<vmem>>, vector<16xi32>,
        %swap3A_179 = vector.shape_cast %swap3A_178 : vector<16xi32> to vector<16xi32>
        %swap3A_180 = vector.shape_cast %get3A_177 : vector<16xi32> to vector<16xi32>
        tpu.vector_store %arg12[%swap3A], %swap3A_180 {strides = array<i32>} : memref<64xi32, #tpu.memory_space<vmem>>, vector<16xi32>,
        %get3A_181 = arith.index_cast %add3A_84 : i32 to index
        %get3A_182 = arith.constant 0 : index
        %get3A_183 = tpu.vector_load %arg9[%get3A_181, %get3A_182] {strides = array<i32>} : memref<80x64xi32, #tpu.memory_space<vmem>>, vector<1x16xi32>,
        %get3A_184 = vector.shape_cast %get3A_183 : vector<1x16xi32> to vector<16xi32>
        %swap3A_185 = arith.constant 0 : index
        %swap3A_186 = tpu.vector_load %arg16[%swap3A_185] {strides = array<i32>} : memref<64xi32, #tpu.memory_space<vmem>>, vector<16xi32>,
        %swap3A_187 = vector.shape_cast %swap3A_186 : vector<16xi32> to vector<16xi32>
        %swap3A_188 = vector.shape_cast %get3A_184 : vector<16xi32> to vector<16xi32>
        tpu.vector_store %arg16[%swap3A_185], %swap3A_188 {strides = array<i32>} : memref<64xi32, #tpu.memory_space<vmem>>, vector<16xi32>,
        %get3A_189 = arith.index_cast %add3A_84 : i32 to index
        %get3A_190 = arith.constant 16 : index
        %get3A_191 = tpu.vector_load %arg8[%get3A_189, %get3A_190] {strides = array<i32>} : memref<80x64xi32, #tpu.memory_space<vmem>>, vector<1x16xi32>,
        %get3A_192 = vector.shape_cast %get3A_191 : vector<1x16xi32> to vector<16xi32>
        %swap3A_193 = arith.constant 16 : index
        %swap3A_194 = tpu.vector_load %arg12[%swap3A_193] {strides = array<i32>} : memref<64xi32, #tpu.memory_space<vmem>>, vector<16xi32>,
        %swap3A_195 = vector.shape_cast %swap3A_194 : vector<16xi32> to vector<16xi32>
        %swap3A_196 = vector.shape_cast %get3A_192 : vector<16xi32> to vector<16xi32>
        tpu.vector_store %arg12[%swap3A_193], %swap3A_196 {strides = array<i32>} : memref<64xi32, #tpu.memory_space<vmem>>, vector<16xi32>,
        %get3A_197 = arith.index_cast %add3A_84 : i32 to index
        %get3A_198 = arith.constant 16 : index
        %get3A_199 = tpu.vector_load %arg9[%get3A_197, %get3A_198] {strides = array<i32>} : memref<80x64xi32, #tpu.memory_space<vmem>>, vector<1x16xi32>,
        %get3A_200 = vector.shape_cast %get3A_199 : vector<1x16xi32> to vector<16xi32>
        %swap3A_201 = arith.constant 16 : index
        %swap3A_202 = tpu.vector_load %arg16[%swap3A_201] {strides = array<i32>} : memref<64xi32, #tpu.memory_space<vmem>>, vector<16xi32>,
        %swap3A_203 = vector.shape_cast %swap3A_202 : vector<16xi32> to vector<16xi32>
        %swap3A_204 = vector.shape_cast %get3A_200 : vector<16xi32> to vector<16xi32>
        tpu.vector_store %arg16[%swap3A_201], %swap3A_204 {strides = array<i32>} : memref<64xi32, #tpu.memory_space<vmem>>, vector<16xi32>,
        %get3A_205 = arith.index_cast %add3A_84 : i32 to index
        %get3A_206 = arith.constant 32 : index
        %get3A_207 = tpu.vector_load %arg8[%get3A_205, %get3A_206] {strides = array<i32>} : memref<80x64xi32, #tpu.memory_space<vmem>>, vector<1x16xi32>,
        %get3A_208 = vector.shape_cast %get3A_207 : vector<1x16xi32> to vector<16xi32>
        %swap3A_209 = arith.constant 32 : index
        %swap3A_210 = tpu.vector_load %arg12[%swap3A_209] {strides = array<i32>} : memref<64xi32, #tpu.memory_space<vmem>>, vector<16xi32>,
        %swap3A_211 = vector.shape_cast %swap3A_210 : vector<16xi32> to vector<16xi32>
        %swap3A_212 = vector.shape_cast %get3A_208 : vector<16xi32> to vector<16xi32>
        tpu.vector_store %arg12[%swap3A_209], %swap3A_212 {strides = array<i32>} : memref<64xi32, #tpu.memory_space<vmem>>, vector<16xi32>,
        %get3A_213 = arith.index_cast %add3A_84 : i32 to index
        %get3A_214 = arith.constant 32 : index
        %get3A_215 = tpu.vector_load %arg9[%get3A_213, %get3A_214] {strides = array<i32>} : memref<80x64xi32, #tpu.memory_space<vmem>>, vector<1x16xi32>,
        %get3A_216 = vector.shape_cast %get3A_215 : vector<1x16xi32> to vector<16xi32>
        %swap3A_217 = arith.constant 32 : index
        %swap3A_218 = tpu.vector_load %arg16[%swap3A_217] {strides = array<i32>} : memref<64xi32, #tpu.memory_space<vmem>>, vector<16xi32>,
        %swap3A_219 = vector.shape_cast %swap3A_218 : vector<16xi32> to vector<16xi32>
        %swap3A_220 = vector.shape_cast %get3A_216 : vector<16xi32> to vector<16xi32>
        tpu.vector_store %arg16[%swap3A_217], %swap3A_220 {strides = array<i32>} : memref<64xi32, #tpu.memory_space<vmem>>, vector<16xi32>,
        %get3A_221 = arith.index_cast %add3A_84 : i32 to index
        %get3A_222 = arith.constant 48 : index
        %get3A_223 = tpu.vector_load %arg8[%get3A_221, %get3A_222] {strides = array<i32>} : memref<80x64xi32, #tpu.memory_space<vmem>>, vector<1x16xi32>,
        %get3A_224 = vector.shape_cast %get3A_223 : vector<1x16xi32> to vector<16xi32>
        %swap3A_225 = arith.constant 48 : index
        %swap3A_226 = tpu.vector_load %arg12[%swap3A_225] {strides = array<i32>} : memref<64xi32, #tpu.memory_space<vmem>>, vector<16xi32>,
        %swap3A_227 = vector.shape_cast %swap3A_226 : vector<16xi32> to vector<16xi32>
        %swap3A_228 = vector.shape_cast %get3A_224 : vector<16xi32> to vector<16xi32>
        tpu.vector_store %arg12[%swap3A_225], %swap3A_228 {strides = array<i32>} : memref<64xi32, #tpu.memory_space<vmem>>, vector<16xi32>,
        %get3A_229 = arith.index_cast %add3A_84 : i32 to index
        %get3A_230 = arith.constant 48 : index
        %get3A_231 = tpu.vector_load %arg9[%get3A_229, %get3A_230] {strides = array<i32>} : memref<80x64xi32, #tpu.memory_space<vmem>>, vector<1x16xi32>,
        %get3A_232 = vector.shape_cast %get3A_231 : vector<1x16xi32> to vector<16xi32>
        %swap3A_233 = arith.constant 48 : index
        %swap3A_234 = tpu.vector_load %arg16[%swap3A_233] {strides = array<i32>} : memref<64xi32, #tpu.memory_space<vmem>>, vector<16xi32>,
        %swap3A_235 = vector.shape_cast %swap3A_234 : vector<16xi32> to vector<16xi32>
        %swap3A_236 = vector.shape_cast %get3A_232 : vector<16xi32> to vector<16xi32>
        tpu.vector_store %arg16[%swap3A_233], %swap3A_236 {strides = array<i32>} : memref<64xi32, #tpu.memory_space<vmem>>, vector<16xi32>,
        %dma_start3A_237 = arith.constant 0 : i32
        %dma_start3A_238 = arith.constant 0 : i32
        %dma_start3A_239 = tpu.memref_slice %arg2[%dma_start3A_237, %dma_start3A_238] : memref<10000x128xi32, #tpu.memory_space<hbm>> -> memref<10000x128xi32, #tpu.memory_space<hbm>>
        tpu.enqueue_indirect_dma source(%dma_start3A_239 : memref<10000x128xi32, #tpu.memory_space<hbm>>) target(%arg20 : memref<64x128xi32, #tpu.memory_space<vmem>>) offsets(%arg12 : memref<64xi32, #tpu.memory_space<vmem>>) semaphore(%arg28 : memref<!tpu.dma_semaphore, #tpu.memory_space<semaphore_mem>>)
        %dma_start3A_240 = arith.constant 0 : i32
        %dma_start3A_241 = arith.constant 0 : i32
        %dma_start3A_242 = tpu.memref_slice %arg3[%dma_start3A_240, %dma_start3A_241] : memref<10000x128xi32, #tpu.memory_space<hbm>> -> memref<10000x128xi32, #tpu.memory_space<hbm>>
        tpu.enqueue_indirect_dma source(%dma_start3A_242 : memref<10000x128xi32, #tpu.memory_space<hbm>>) target(%arg24 : memref<64x128xi32, #tpu.memory_space<vmem>>) offsets(%arg16 : memref<64xi32, #tpu.memory_space<vmem>>) semaphore(%arg32 : memref<!tpu.dma_semaphore, #tpu.memory_space<semaphore_mem>>)
      } else {
      }
      %mul3A_88 = arith.constant 4 : i32
      %mul3A_89 = arith.muli %while3A_63, %mul3A_88 : i32
      %add3A_90 = arith.constant 1 : i32
      %add3A_91 = arith.addi %mul3A_89, %add3A_90 : i32
      %dma_wait3A_92 = arith.constant 0 : i32
      %dma_wait3A_93 = arith.constant 0 : i32
      %dma_wait3A_94 = tpu.memref_slice %arg2[%dma_wait3A_92, %dma_wait3A_93] : memref<10000x128xi32, #tpu.memory_space<hbm>> -> memref<10000x128xi32, #tpu.memory_space<hbm>>
      tpu.wait_indirect_dma semaphore(%arg27 : memref<!tpu.dma_semaphore, #tpu.memory_space<semaphore_mem>>) src(%dma_wait3A_94 : memref<10000x128xi32, #tpu.memory_space<hbm>>) dst(%arg19 : memref<64x128xi32, #tpu.memory_space<vmem>>)
      %dma_wait3A_95 = arith.constant 0 : i32
      %dma_wait3A_96 = arith.constant 0 : i32
      %dma_wait3A_97 = tpu.memref_slice %arg3[%dma_wait3A_95, %dma_wait3A_96] : memref<10000x128xi32, #tpu.memory_space<hbm>> -> memref<10000x128xi32, #tpu.memory_space<hbm>>
      tpu.wait_indirect_dma semaphore(%arg31 : memref<!tpu.dma_semaphore, #tpu.memory_space<semaphore_mem>>) src(%dma_wait3A_97 : memref<10000x128xi32, #tpu.memory_space<hbm>>) dst(%arg23 : memref<64x128xi32, #tpu.memory_space<vmem>>)
      %add3A_98 = arith.addi %select_n3A_8, %add3A_91 : i32
      %mul3A_99 = arith.constant 64 : i32
      %mul3A_100 = arith.muli %add3A_98, %mul3A_99 : i32
      %dma_start3A_101 = arith.constant 0 : i32
      %dma_start3A_102 = tpu.memref_slice %arg6[%mul3A_100, %dma_start3A_101] : memref<163840x128xi32, #tpu.memory_space<hbm>> -> memref<64x128xi32, #tpu.memory_space<hbm>>
      %dma_start3A_103 = arith.constant 0 : i32
      %dma_start3A_104 = tpu.memref_slice %arg6[%mul3A_100, %dma_start3A_103] : memref<163840x128xi32, #tpu.memory_space<hbm>> -> memref<64x128xi32, #tpu.memory_space<hbm>>
      tpu.enqueue_dma source(%arg19 : memref<64x128xi32, #tpu.memory_space<vmem>>) target(%dma_start3A_104 : memref<64x128xi32, #tpu.memory_space<hbm>>) target_semaphore(%arg35 : memref<!tpu.dma_semaphore, #tpu.memory_space<semaphore_mem>>)
      %dma_start3A_105 = arith.constant 0 : i32
      %dma_start3A_106 = tpu.memref_slice %arg7[%mul3A_100, %dma_start3A_105] : memref<163840x128xi32, #tpu.memory_space<hbm>> -> memref<64x128xi32, #tpu.memory_space<hbm>>
      %dma_start3A_107 = arith.constant 0 : i32
      %dma_start3A_108 = tpu.memref_slice %arg7[%mul3A_100, %dma_start3A_107] : memref<163840x128xi32, #tpu.memory_space<hbm>> -> memref<64x128xi32, #tpu.memory_space<hbm>>
      tpu.enqueue_dma source(%arg23 : memref<64x128xi32, #tpu.memory_space<vmem>>) target(%dma_start3A_108 : memref<64x128xi32, #tpu.memory_space<hbm>>) target_semaphore(%arg39 : memref<!tpu.dma_semaphore, #tpu.memory_space<semaphore_mem>>)
      %add3A_109 = arith.constant 2 : i32
      %add3A_110 = arith.addi %add3A_91, %add3A_109 : i32
      %lt3A_111 = arith.cmpi slt, %add3A_110, %select_n3A : i32
      %convert_element_type3A_112 = arith.extui %lt3A_111 : i1 to i32
      %cond3A_113 = arith.constant 0 : i32
      %cond3A_114 = arith.cmpi ne, %convert_element_type3A_112, %cond3A_113 : i32
      scf.if %cond3A_114 {
        %sub3A_169 = arith.constant 4 : i32
        %sub3A_170 = arith.subi %add3A_110, %sub3A_169 : i32
        %ge3A = arith.constant 0 : i32
        %ge3A_171 = arith.cmpi sge, %sub3A_170, %ge3A : i32
        %convert_element_type3A_172 = arith.extui %ge3A_171 : i1 to i32
        %cond3A_173 = arith.constant 0 : i32
        %cond3A_174 = arith.cmpi ne, %convert_element_type3A_172, %cond3A_173 : i32
        scf.if %cond3A_174 {
          %dma_wait3A_243 = arith.constant 0 : i32
          %dma_wait3A_244 = arith.constant 0 : i32
          %dma_wait3A_245 = tpu.memref_slice %arg6[%dma_wait3A_243, %dma_wait3A_244] : memref<163840x128xi32, #tpu.memory_space<hbm>> -> memref<64x128xi32, #tpu.memory_space<hbm>>
          %dma_wait3A_246 = arith.constant 0 : i32
          %dma_wait3A_247 = arith.constant 0 : i32
          %dma_wait3A_248 = tpu.memref_slice %arg6[%dma_wait3A_246, %dma_wait3A_247] : memref<163840x128xi32, #tpu.memory_space<hbm>> -> memref<64x128xi32, #tpu.memory_space<hbm>>
          tpu.wait_dma2 semaphore(%arg37 : memref<!tpu.dma_semaphore, #tpu.memory_space<semaphore_mem>>) src(%arg21 : memref<64x128xi32, #tpu.memory_space<vmem>>) dst(%dma_wait3A_248 : memref<64x128xi32, #tpu.memory_space<hbm>>)
          %dma_wait3A_249 = arith.constant 0 : i32
          %dma_wait3A_250 = arith.constant 0 : i32
          %dma_wait3A_251 = tpu.memref_slice %arg7[%dma_wait3A_249, %dma_wait3A_250] : memref<163840x128xi32, #tpu.memory_space<hbm>> -> memref<64x128xi32, #tpu.memory_space<hbm>>
          %dma_wait3A_252 = arith.constant 0 : i32
          %dma_wait3A_253 = arith.constant 0 : i32
          %dma_wait3A_254 = tpu.memref_slice %arg7[%dma_wait3A_252, %dma_wait3A_253] : memref<163840x128xi32, #tpu.memory_space<hbm>> -> memref<64x128xi32, #tpu.memory_space<hbm>>
          tpu.wait_dma2 semaphore(%arg41 : memref<!tpu.dma_semaphore, #tpu.memory_space<semaphore_mem>>) src(%arg25 : memref<64x128xi32, #tpu.memory_space<vmem>>) dst(%dma_wait3A_254 : memref<64x128xi32, #tpu.memory_space<hbm>>)
        } else {
        }
        %get3A = arith.index_cast %add3A_110 : i32 to index
        %get3A_175 = arith.constant 0 : index
        %get3A_176 = tpu.vector_load %arg8[%get3A, %get3A_175] {strides = array<i32>} : memref<80x64xi32, #tpu.memory_space<vmem>>, vector<1x16xi32>,
        %get3A_177 = vector.shape_cast %get3A_176 : vector<1x16xi32> to vector<16xi32>
        %swap3A = arith.constant 0 : index
        %swap3A_178 = tpu.vector_load %arg13[%swap3A] {strides = array<i32>} : memref<64xi32, #tpu.memory_space<vmem>>, vector<16xi32>,
        %swap3A_179 = vector.shape_cast %swap3A_178 : vector<16xi32> to vector<16xi32>
        %swap3A_180 = vector.shape_cast %get3A_177 : vector<16xi32> to vector<16xi32>
        tpu.vector_store %arg13[%swap3A], %swap3A_180 {strides = array<i32>} : memref<64xi32, #tpu.memory_space<vmem>>, vector<16xi32>,
        %get3A_181 = arith.index_cast %add3A_110 : i32 to index
        %get3A_182 = arith.constant 0 : index
        %get3A_183 = tpu.vector_load %arg9[%get3A_181, %get3A_182] {strides = array<i32>} : memref<80x64xi32, #tpu.memory_space<vmem>>, vector<1x16xi32>,
        %get3A_184 = vector.shape_cast %get3A_183 : vector<1x16xi32> to vector<16xi32>
        %swap3A_185 = arith.constant 0 : index
        %swap3A_186 = tpu.vector_load %arg17[%swap3A_185] {strides = array<i32>} : memref<64xi32, #tpu.memory_space<vmem>>, vector<16xi32>,
        %swap3A_187 = vector.shape_cast %swap3A_186 : vector<16xi32> to vector<16xi32>
        %swap3A_188 = vector.shape_cast %get3A_184 : vector<16xi32> to vector<16xi32>
        tpu.vector_store %arg17[%swap3A_185], %swap3A_188 {strides = array<i32>} : memref<64xi32, #tpu.memory_space<vmem>>, vector<16xi32>,
        %get3A_189 = arith.index_cast %add3A_110 : i32 to index
        %get3A_190 = arith.constant 16 : index
        %get3A_191 = tpu.vector_load %arg8[%get3A_189, %get3A_190] {strides = array<i32>} : memref<80x64xi32, #tpu.memory_space<vmem>>, vector<1x16xi32>,
        %get3A_192 = vector.shape_cast %get3A_191 : vector<1x16xi32> to vector<16xi32>
        %swap3A_193 = arith.constant 16 : index
        %swap3A_194 = tpu.vector_load %arg13[%swap3A_193] {strides = array<i32>} : memref<64xi32, #tpu.memory_space<vmem>>, vector<16xi32>,
        %swap3A_195 = vector.shape_cast %swap3A_194 : vector<16xi32> to vector<16xi32>
        %swap3A_196 = vector.shape_cast %get3A_192 : vector<16xi32> to vector<16xi32>
        tpu.vector_store %arg13[%swap3A_193], %swap3A_196 {strides = array<i32>} : memref<64xi32, #tpu.memory_space<vmem>>, vector<16xi32>,
        %get3A_197 = arith.index_cast %add3A_110 : i32 to index
        %get3A_198 = arith.constant 16 : index
        %get3A_199 = tpu.vector_load %arg9[%get3A_197, %get3A_198] {strides = array<i32>} : memref<80x64xi32, #tpu.memory_space<vmem>>, vector<1x16xi32>,
        %get3A_200 = vector.shape_cast %get3A_199 : vector<1x16xi32> to vector<16xi32>
        %swap3A_201 = arith.constant 16 : index
        %swap3A_202 = tpu.vector_load %arg17[%swap3A_201] {strides = array<i32>} : memref<64xi32, #tpu.memory_space<vmem>>, vector<16xi32>,
        %swap3A_203 = vector.shape_cast %swap3A_202 : vector<16xi32> to vector<16xi32>
        %swap3A_204 = vector.shape_cast %get3A_200 : vector<16xi32> to vector<16xi32>
        tpu.vector_store %arg17[%swap3A_201], %swap3A_204 {strides = array<i32>} : memref<64xi32, #tpu.memory_space<vmem>>, vector<16xi32>,
        %get3A_205 = arith.index_cast %add3A_110 : i32 to index
        %get3A_206 = arith.constant 32 : index
        %get3A_207 = tpu.vector_load %arg8[%get3A_205, %get3A_206] {strides = array<i32>} : memref<80x64xi32, #tpu.memory_space<vmem>>, vector<1x16xi32>,
        %get3A_208 = vector.shape_cast %get3A_207 : vector<1x16xi32> to vector<16xi32>
        %swap3A_209 = arith.constant 32 : index
        %swap3A_210 = tpu.vector_load %arg13[%swap3A_209] {strides = array<i32>} : memref<64xi32, #tpu.memory_space<vmem>>, vector<16xi32>,
        %swap3A_211 = vector.shape_cast %swap3A_210 : vector<16xi32> to vector<16xi32>
        %swap3A_212 = vector.shape_cast %get3A_208 : vector<16xi32> to vector<16xi32>
        tpu.vector_store %arg13[%swap3A_209], %swap3A_212 {strides = array<i32>} : memref<64xi32, #tpu.memory_space<vmem>>, vector<16xi32>,
        %get3A_213 = arith.index_cast %add3A_110 : i32 to index
        %get3A_214 = arith.constant 32 : index
        %get3A_215 = tpu.vector_load %arg9[%get3A_213, %get3A_214] {strides = array<i32>} : memref<80x64xi32, #tpu.memory_space<vmem>>, vector<1x16xi32>,
        %get3A_216 = vector.shape_cast %get3A_215 : vector<1x16xi32> to vector<16xi32>
        %swap3A_217 = arith.constant 32 : index
        %swap3A_218 = tpu.vector_load %arg17[%swap3A_217] {strides = array<i32>} : memref<64xi32, #tpu.memory_space<vmem>>, vector<16xi32>,
        %swap3A_219 = vector.shape_cast %swap3A_218 : vector<16xi32> to vector<16xi32>
        %swap3A_220 = vector.shape_cast %get3A_216 : vector<16xi32> to vector<16xi32>
        tpu.vector_store %arg17[%swap3A_217], %swap3A_220 {strides = array<i32>} : memref<64xi32, #tpu.memory_space<vmem>>, vector<16xi32>,
        %get3A_221 = arith.index_cast %add3A_110 : i32 to index
        %get3A_222 = arith.constant 48 : index
        %get3A_223 = tpu.vector_load %arg8[%get3A_221, %get3A_222] {strides = array<i32>} : memref<80x64xi32, #tpu.memory_space<vmem>>, vector<1x16xi32>,
        %get3A_224 = vector.shape_cast %get3A_223 : vector<1x16xi32> to vector<16xi32>
        %swap3A_225 = arith.constant 48 : index
        %swap3A_226 = tpu.vector_load %arg13[%swap3A_225] {strides = array<i32>} : memref<64xi32, #tpu.memory_space<vmem>>, vector<16xi32>,
        %swap3A_227 = vector.shape_cast %swap3A_226 : vector<16xi32> to vector<16xi32>
        %swap3A_228 = vector.shape_cast %get3A_224 : vector<16xi32> to vector<16xi32>
        tpu.vector_store %arg13[%swap3A_225], %swap3A_228 {strides = array<i32>} : memref<64xi32, #tpu.memory_space<vmem>>, vector<16xi32>,
        %get3A_229 = arith.index_cast %add3A_110 : i32 to index
        %get3A_230 = arith.constant 48 : index
        %get3A_231 = tpu.vector_load %arg9[%get3A_229, %get3A_230] {strides = array<i32>} : memref<80x64xi32, #tpu.memory_space<vmem>>, vector<1x16xi32>,
        %get3A_232 = vector.shape_cast %get3A_231 : vector<1x16xi32> to vector<16xi32>
        %swap3A_233 = arith.constant 48 : index
        %swap3A_234 = tpu.vector_load %arg17[%swap3A_233] {strides = array<i32>} : memref<64xi32, #tpu.memory_space<vmem>>, vector<16xi32>,
        %swap3A_235 = vector.shape_cast %swap3A_234 : vector<16xi32> to vector<16xi32>
        %swap3A_236 = vector.shape_cast %get3A_232 : vector<16xi32> to vector<16xi32>
        tpu.vector_store %arg17[%swap3A_233], %swap3A_236 {strides = array<i32>} : memref<64xi32, #tpu.memory_space<vmem>>, vector<16xi32>,
        %dma_start3A_237 = arith.constant 0 : i32
        %dma_start3A_238 = arith.constant 0 : i32
        %dma_start3A_239 = tpu.memref_slice %arg2[%dma_start3A_237, %dma_start3A_238] : memref<10000x128xi32, #tpu.memory_space<hbm>> -> memref<10000x128xi32, #tpu.memory_space<hbm>>
        tpu.enqueue_indirect_dma source(%dma_start3A_239 : memref<10000x128xi32, #tpu.memory_space<hbm>>) target(%arg21 : memref<64x128xi32, #tpu.memory_space<vmem>>) offsets(%arg13 : memref<64xi32, #tpu.memory_space<vmem>>) semaphore(%arg29 : memref<!tpu.dma_semaphore, #tpu.memory_space<semaphore_mem>>)
        %dma_start3A_240 = arith.constant 0 : i32
        %dma_start3A_241 = arith.constant 0 : i32
        %dma_start3A_242 = tpu.memref_slice %arg3[%dma_start3A_240, %dma_start3A_241] : memref<10000x128xi32, #tpu.memory_space<hbm>> -> memref<10000x128xi32, #tpu.memory_space<hbm>>
        tpu.enqueue_indirect_dma source(%dma_start3A_242 : memref<10000x128xi32, #tpu.memory_space<hbm>>) target(%arg25 : memref<64x128xi32, #tpu.memory_space<vmem>>) offsets(%arg17 : memref<64xi32, #tpu.memory_space<vmem>>) semaphore(%arg33 : memref<!tpu.dma_semaphore, #tpu.memory_space<semaphore_mem>>)
      } else {
      }
      %mul3A_115 = arith.constant 4 : i32
      %mul3A_116 = arith.muli %while3A_63, %mul3A_115 : i32
      %add3A_117 = arith.constant 2 : i32
      %add3A_118 = arith.addi %mul3A_116, %add3A_117 : i32
      %dma_wait3A_119 = arith.constant 0 : i32
      %dma_wait3A_120 = arith.constant 0 : i32
      %dma_wait3A_121 = tpu.memref_slice %arg2[%dma_wait3A_119, %dma_wait3A_120] : memref<10000x128xi32, #tpu.memory_space<hbm>> -> memref<10000x128xi32, #tpu.memory_space<hbm>>
      tpu.wait_indirect_dma semaphore(%arg28 : memref<!tpu.dma_semaphore, #tpu.memory_space<semaphore_mem>>) src(%dma_wait3A_121 : memref<10000x128xi32, #tpu.memory_space<hbm>>) dst(%arg20 : memref<64x128xi32, #tpu.memory_space<vmem>>)
      %dma_wait3A_122 = arith.constant 0 : i32
      %dma_wait3A_123 = arith.constant 0 : i32
      %dma_wait3A_124 = tpu.memref_slice %arg3[%dma_wait3A_122, %dma_wait3A_123] : memref<10000x128xi32, #tpu.memory_space<hbm>> -> memref<10000x128xi32, #tpu.memory_space<hbm>>
      tpu.wait_indirect_dma semaphore(%arg32 : memref<!tpu.dma_semaphore, #tpu.memory_space<semaphore_mem>>) src(%dma_wait3A_124 : memref<10000x128xi32, #tpu.memory_space<hbm>>) dst(%arg24 : memref<64x128xi32, #tpu.memory_space<vmem>>)
      %add3A_125 = arith.addi %select_n3A_8, %add3A_118 : i32
      %mul3A_126 = arith.constant 64 : i32
      %mul3A_127 = arith.muli %add3A_125, %mul3A_126 : i32
      %dma_start3A_128 = arith.constant 0 : i32
      %dma_start3A_129 = tpu.memref_slice %arg6[%mul3A_127, %dma_start3A_128] : memref<163840x128xi32, #tpu.memory_space<hbm>> -> memref<64x128xi32, #tpu.memory_space<hbm>>
      %dma_start3A_130 = arith.constant 0 : i32
      %dma_start3A_131 = tpu.memref_slice %arg6[%mul3A_127, %dma_start3A_130] : memref<163840x128xi32, #tpu.memory_space<hbm>> -> memref<64x128xi32, #tpu.memory_space<hbm>>
      tpu.enqueue_dma source(%arg20 : memref<64x128xi32, #tpu.memory_space<vmem>>) target(%dma_start3A_131 : memref<64x128xi32, #tpu.memory_space<hbm>>) target_semaphore(%arg36 : memref<!tpu.dma_semaphore, #tpu.memory_space<semaphore_mem>>)
      %dma_start3A_132 = arith.constant 0 : i32
      %dma_start3A_133 = tpu.memref_slice %arg7[%mul3A_127, %dma_start3A_132] : memref<163840x128xi32, #tpu.memory_space<hbm>> -> memref<64x128xi32, #tpu.memory_space<hbm>>
      %dma_start3A_134 = arith.constant 0 : i32
      %dma_start3A_135 = tpu.memref_slice %arg7[%mul3A_127, %dma_start3A_134] : memref<163840x128xi32, #tpu.memory_space<hbm>> -> memref<64x128xi32, #tpu.memory_space<hbm>>
      tpu.enqueue_dma source(%arg24 : memref<64x128xi32, #tpu.memory_space<vmem>>) target(%dma_start3A_135 : memref<64x128xi32, #tpu.memory_space<hbm>>) target_semaphore(%arg40 : memref<!tpu.dma_semaphore, #tpu.memory_space<semaphore_mem>>)
      %add3A_136 = arith.constant 2 : i32
      %add3A_137 = arith.addi %add3A_118, %add3A_136 : i32
      %lt3A_138 = arith.cmpi slt, %add3A_137, %select_n3A : i32
      %convert_element_type3A_139 = arith.extui %lt3A_138 : i1 to i32
      %cond3A_140 = arith.constant 0 : i32
      %cond3A_141 = arith.cmpi ne, %convert_element_type3A_139, %cond3A_140 : i32
      scf.if %cond3A_141 {
        %sub3A_169 = arith.constant 4 : i32
        %sub3A_170 = arith.subi %add3A_137, %sub3A_169 : i32
        %ge3A = arith.constant 0 : i32
        %ge3A_171 = arith.cmpi sge, %sub3A_170, %ge3A : i32
        %convert_element_type3A_172 = arith.extui %ge3A_171 : i1 to i32
        %cond3A_173 = arith.constant 0 : i32
        %cond3A_174 = arith.cmpi ne, %convert_element_type3A_172, %cond3A_173 : i32
        scf.if %cond3A_174 {
          %dma_wait3A_243 = arith.constant 0 : i32
          %dma_wait3A_244 = arith.constant 0 : i32
          %dma_wait3A_245 = tpu.memref_slice %arg6[%dma_wait3A_243, %dma_wait3A_244] : memref<163840x128xi32, #tpu.memory_space<hbm>> -> memref<64x128xi32, #tpu.memory_space<hbm>>
          %dma_wait3A_246 = arith.constant 0 : i32
          %dma_wait3A_247 = arith.constant 0 : i32
          %dma_wait3A_248 = tpu.memref_slice %arg6[%dma_wait3A_246, %dma_wait3A_247] : memref<163840x128xi32, #tpu.memory_space<hbm>> -> memref<64x128xi32, #tpu.memory_space<hbm>>
          tpu.wait_dma2 semaphore(%arg34 : memref<!tpu.dma_semaphore, #tpu.memory_space<semaphore_mem>>) src(%arg18 : memref<64x128xi32, #tpu.memory_space<vmem>>) dst(%dma_wait3A_248 : memref<64x128xi32, #tpu.memory_space<hbm>>)
          %dma_wait3A_249 = arith.constant 0 : i32
          %dma_wait3A_250 = arith.constant 0 : i32
          %dma_wait3A_251 = tpu.memref_slice %arg7[%dma_wait3A_249, %dma_wait3A_250] : memref<163840x128xi32, #tpu.memory_space<hbm>> -> memref<64x128xi32, #tpu.memory_space<hbm>>
          %dma_wait3A_252 = arith.constant 0 : i32
          %dma_wait3A_253 = arith.constant 0 : i32
          %dma_wait3A_254 = tpu.memref_slice %arg7[%dma_wait3A_252, %dma_wait3A_253] : memref<163840x128xi32, #tpu.memory_space<hbm>> -> memref<64x128xi32, #tpu.memory_space<hbm>>
          tpu.wait_dma2 semaphore(%arg38 : memref<!tpu.dma_semaphore, #tpu.memory_space<semaphore_mem>>) src(%arg22 : memref<64x128xi32, #tpu.memory_space<vmem>>) dst(%dma_wait3A_254 : memref<64x128xi32, #tpu.memory_space<hbm>>)
        } else {
        }
        %get3A = arith.index_cast %add3A_137 : i32 to index
        %get3A_175 = arith.constant 0 : index
        %get3A_176 = tpu.vector_load %arg8[%get3A, %get3A_175] {strides = array<i32>} : memref<80x64xi32, #tpu.memory_space<vmem>>, vector<1x16xi32>,
        %get3A_177 = vector.shape_cast %get3A_176 : vector<1x16xi32> to vector<16xi32>
        %swap3A = arith.constant 0 : index
        %swap3A_178 = tpu.vector_load %arg10[%swap3A] {strides = array<i32>} : memref<64xi32, #tpu.memory_space<vmem>>, vector<16xi32>,
        %swap3A_179 = vector.shape_cast %swap3A_178 : vector<16xi32> to vector<16xi32>
        %swap3A_180 = vector.shape_cast %get3A_177 : vector<16xi32> to vector<16xi32>
        tpu.vector_store %arg10[%swap3A], %swap3A_180 {strides = array<i32>} : memref<64xi32, #tpu.memory_space<vmem>>, vector<16xi32>,
        %get3A_181 = arith.index_cast %add3A_137 : i32 to index
        %get3A_182 = arith.constant 0 : index
        %get3A_183 = tpu.vector_load %arg9[%get3A_181, %get3A_182] {strides = array<i32>} : memref<80x64xi32, #tpu.memory_space<vmem>>, vector<1x16xi32>,
        %get3A_184 = vector.shape_cast %get3A_183 : vector<1x16xi32> to vector<16xi32>
        %swap3A_185 = arith.constant 0 : index
        %swap3A_186 = tpu.vector_load %arg14[%swap3A_185] {strides = array<i32>} : memref<64xi32, #tpu.memory_space<vmem>>, vector<16xi32>,
        %swap3A_187 = vector.shape_cast %swap3A_186 : vector<16xi32> to vector<16xi32>
        %swap3A_188 = vector.shape_cast %get3A_184 : vector<16xi32> to vector<16xi32>
        tpu.vector_store %arg14[%swap3A_185], %swap3A_188 {strides = array<i32>} : memref<64xi32, #tpu.memory_space<vmem>>, vector<16xi32>,
        %get3A_189 = arith.index_cast %add3A_137 : i32 to index
        %get3A_190 = arith.constant 16 : index
        %get3A_191 = tpu.vector_load %arg8[%get3A_189, %get3A_190] {strides = array<i32>} : memref<80x64xi32, #tpu.memory_space<vmem>>, vector<1x16xi32>,
        %get3A_192 = vector.shape_cast %get3A_191 : vector<1x16xi32> to vector<16xi32>
        %swap3A_193 = arith.constant 16 : index
        %swap3A_194 = tpu.vector_load %arg10[%swap3A_193] {strides = array<i32>} : memref<64xi32, #tpu.memory_space<vmem>>, vector<16xi32>,
        %swap3A_195 = vector.shape_cast %swap3A_194 : vector<16xi32> to vector<16xi32>
        %swap3A_196 = vector.shape_cast %get3A_192 : vector<16xi32> to vector<16xi32>
        tpu.vector_store %arg10[%swap3A_193], %swap3A_196 {strides = array<i32>} : memref<64xi32, #tpu.memory_space<vmem>>, vector<16xi32>,
        %get3A_197 = arith.index_cast %add3A_137 : i32 to index
        %get3A_198 = arith.constant 16 : index
        %get3A_199 = tpu.vector_load %arg9[%get3A_197, %get3A_198] {strides = array<i32>} : memref<80x64xi32, #tpu.memory_space<vmem>>, vector<1x16xi32>,
        %get3A_200 = vector.shape_cast %get3A_199 : vector<1x16xi32> to vector<16xi32>
        %swap3A_201 = arith.constant 16 : index
        %swap3A_202 = tpu.vector_load %arg14[%swap3A_201] {strides = array<i32>} : memref<64xi32, #tpu.memory_space<vmem>>, vector<16xi32>,
        %swap3A_203 = vector.shape_cast %swap3A_202 : vector<16xi32> to vector<16xi32>
        %swap3A_204 = vector.shape_cast %get3A_200 : vector<16xi32> to vector<16xi32>
        tpu.vector_store %arg14[%swap3A_201], %swap3A_204 {strides = array<i32>} : memref<64xi32, #tpu.memory_space<vmem>>, vector<16xi32>,
        %get3A_205 = arith.index_cast %add3A_137 : i32 to index
        %get3A_206 = arith.constant 32 : index
        %get3A_207 = tpu.vector_load %arg8[%get3A_205, %get3A_206] {strides = array<i32>} : memref<80x64xi32, #tpu.memory_space<vmem>>, vector<1x16xi32>,
        %get3A_208 = vector.shape_cast %get3A_207 : vector<1x16xi32> to vector<16xi32>
        %swap3A_209 = arith.constant 32 : index
        %swap3A_210 = tpu.vector_load %arg10[%swap3A_209] {strides = array<i32>} : memref<64xi32, #tpu.memory_space<vmem>>, vector<16xi32>,
        %swap3A_211 = vector.shape_cast %swap3A_210 : vector<16xi32> to vector<16xi32>
        %swap3A_212 = vector.shape_cast %get3A_208 : vector<16xi32> to vector<16xi32>
        tpu.vector_store %arg10[%swap3A_209], %swap3A_212 {strides = array<i32>} : memref<64xi32, #tpu.memory_space<vmem>>, vector<16xi32>,
        %get3A_213 = arith.index_cast %add3A_137 : i32 to index
        %get3A_214 = arith.constant 32 : index
        %get3A_215 = tpu.vector_load %arg9[%get3A_213, %get3A_214] {strides = array<i32>} : memref<80x64xi32, #tpu.memory_space<vmem>>, vector<1x16xi32>,
        %get3A_216 = vector.shape_cast %get3A_215 : vector<1x16xi32> to vector<16xi32>
        %swap3A_217 = arith.constant 32 : index
        %swap3A_218 = tpu.vector_load %arg14[%swap3A_217] {strides = array<i32>} : memref<64xi32, #tpu.memory_space<vmem>>, vector<16xi32>,
        %swap3A_219 = vector.shape_cast %swap3A_218 : vector<16xi32> to vector<16xi32>
        %swap3A_220 = vector.shape_cast %get3A_216 : vector<16xi32> to vector<16xi32>
        tpu.vector_store %arg14[%swap3A_217], %swap3A_220 {strides = array<i32>} : memref<64xi32, #tpu.memory_space<vmem>>, vector<16xi32>,
        %get3A_221 = arith.index_cast %add3A_137 : i32 to index
        %get3A_222 = arith.constant 48 : index
        %get3A_223 = tpu.vector_load %arg8[%get3A_221, %get3A_222] {strides = array<i32>} : memref<80x64xi32, #tpu.memory_space<vmem>>, vector<1x16xi32>,
        %get3A_224 = vector.shape_cast %get3A_223 : vector<1x16xi32> to vector<16xi32>
        %swap3A_225 = arith.constant 48 : index
        %swap3A_226 = tpu.vector_load %arg10[%swap3A_225] {strides = array<i32>} : memref<64xi32, #tpu.memory_space<vmem>>, vector<16xi32>,
        %swap3A_227 = vector.shape_cast %swap3A_226 : vector<16xi32> to vector<16xi32>
        %swap3A_228 = vector.shape_cast %get3A_224 : vector<16xi32> to vector<16xi32>
        tpu.vector_store %arg10[%swap3A_225], %swap3A_228 {strides = array<i32>} : memref<64xi32, #tpu.memory_space<vmem>>, vector<16xi32>,
        %get3A_229 = arith.index_cast %add3A_137 : i32 to index
        %get3A_230 = arith.constant 48 : index
        %get3A_231 = tpu.vector_load %arg9[%get3A_229, %get3A_230] {strides = array<i32>} : memref<80x64xi32, #tpu.memory_space<vmem>>, vector<1x16xi32>,
        %get3A_232 = vector.shape_cast %get3A_231 : vector<1x16xi32> to vector<16xi32>
        %swap3A_233 = arith.constant 48 : index
        %swap3A_234 = tpu.vector_load %arg14[%swap3A_233] {strides = array<i32>} : memref<64xi32, #tpu.memory_space<vmem>>, vector<16xi32>,
        %swap3A_235 = vector.shape_cast %swap3A_234 : vector<16xi32> to vector<16xi32>
        %swap3A_236 = vector.shape_cast %get3A_232 : vector<16xi32> to vector<16xi32>
        tpu.vector_store %arg14[%swap3A_233], %swap3A_236 {strides = array<i32>} : memref<64xi32, #tpu.memory_space<vmem>>, vector<16xi32>,
        %dma_start3A_237 = arith.constant 0 : i32
        %dma_start3A_238 = arith.constant 0 : i32
        %dma_start3A_239 = tpu.memref_slice %arg2[%dma_start3A_237, %dma_start3A_238] : memref<10000x128xi32, #tpu.memory_space<hbm>> -> memref<10000x128xi32, #tpu.memory_space<hbm>>
        tpu.enqueue_indirect_dma source(%dma_start3A_239 : memref<10000x128xi32, #tpu.memory_space<hbm>>) target(%arg18 : memref<64x128xi32, #tpu.memory_space<vmem>>) offsets(%arg10 : memref<64xi32, #tpu.memory_space<vmem>>) semaphore(%arg26 : memref<!tpu.dma_semaphore, #tpu.memory_space<semaphore_mem>>)
        %dma_start3A_240 = arith.constant 0 : i32
        %dma_start3A_241 = arith.constant 0 : i32
        %dma_start3A_242 = tpu.memref_slice %arg3[%dma_start3A_240, %dma_start3A_241] : memref<10000x128xi32, #tpu.memory_space<hbm>> -> memref<10000x128xi32, #tpu.memory_space<hbm>>
        tpu.enqueue_indirect_dma source(%dma_start3A_242 : memref<10000x128xi32, #tpu.memory_space<hbm>>) target(%arg22 : memref<64x128xi32, #tpu.memory_space<vmem>>) offsets(%arg14 : memref<64xi32, #tpu.memory_space<vmem>>) semaphore(%arg30 : memref<!tpu.dma_semaphore, #tpu.memory_space<semaphore_mem>>)
      } else {
      }
      %mul3A_142 = arith.constant 4 : i32
      %mul3A_143 = arith.muli %while3A_63, %mul3A_142 : i32
      %add3A_144 = arith.constant 3 : i32
      %add3A_145 = arith.addi %mul3A_143, %add3A_144 : i32
      %dma_wait3A_146 = arith.constant 0 : i32
      %dma_wait3A_147 = arith.constant 0 : i32
      %dma_wait3A_148 = tpu.memref_slice %arg2[%dma_wait3A_146, %dma_wait3A_147] : memref<10000x128xi32, #tpu.memory_space<hbm>> -> memref<10000x128xi32, #tpu.memory_space<hbm>>
      tpu.wait_indirect_dma semaphore(%arg29 : memref<!tpu.dma_semaphore, #tpu.memory_space<semaphore_mem>>) src(%dma_wait3A_148 : memref<10000x128xi32, #tpu.memory_space<hbm>>) dst(%arg21 : memref<64x128xi32, #tpu.memory_space<vmem>>)
      %dma_wait3A_149 = arith.constant 0 : i32
      %dma_wait3A_150 = arith.constant 0 : i32
      %dma_wait3A_151 = tpu.memref_slice %arg3[%dma_wait3A_149, %dma_wait3A_150] : memref<10000x128xi32, #tpu.memory_space<hbm>> -> memref<10000x128xi32, #tpu.memory_space<hbm>>
      tpu.wait_indirect_dma semaphore(%arg33 : memref<!tpu.dma_semaphore, #tpu.memory_space<semaphore_mem>>) src(%dma_wait3A_151 : memref<10000x128xi32, #tpu.memory_space<hbm>>) dst(%arg25 : memref<64x128xi32, #tpu.memory_space<vmem>>)
      %add3A_152 = arith.addi %select_n3A_8, %add3A_145 : i32
      %mul3A_153 = arith.constant 64 : i32
      %mul3A_154 = arith.muli %add3A_152, %mul3A_153 : i32
      %dma_start3A_155 = arith.constant 0 : i32
      %dma_start3A_156 = tpu.memref_slice %arg6[%mul3A_154, %dma_start3A_155] : memref<163840x128xi32, #tpu.memory_space<hbm>> -> memref<64x128xi32, #tpu.memory_space<hbm>>
      %dma_start3A_157 = arith.constant 0 : i32
      %dma_start3A_158 = tpu.memref_slice %arg6[%mul3A_154, %dma_start3A_157] : memref<163840x128xi32, #tpu.memory_space<hbm>> -> memref<64x128xi32, #tpu.memory_space<hbm>>
      tpu.enqueue_dma source(%arg21 : memref<64x128xi32, #tpu.memory_space<vmem>>) target(%dma_start3A_158 : memref<64x128xi32, #tpu.memory_space<hbm>>) target_semaphore(%arg37 : memref<!tpu.dma_semaphore, #tpu.memory_space<semaphore_mem>>)
      %dma_start3A_159 = arith.constant 0 : i32
      %dma_start3A_160 = tpu.memref_slice %arg7[%mul3A_154, %dma_start3A_159] : memref<163840x128xi32, #tpu.memory_space<hbm>> -> memref<64x128xi32, #tpu.memory_space<hbm>>
      %dma_start3A_161 = arith.constant 0 : i32
      %dma_start3A_162 = tpu.memref_slice %arg7[%mul3A_154, %dma_start3A_161] : memref<163840x128xi32, #tpu.memory_space<hbm>> -> memref<64x128xi32, #tpu.memory_space<hbm>>
      tpu.enqueue_dma source(%arg25 : memref<64x128xi32, #tpu.memory_space<vmem>>) target(%dma_start3A_162 : memref<64x128xi32, #tpu.memory_space<hbm>>) target_semaphore(%arg41 : memref<!tpu.dma_semaphore, #tpu.memory_space<semaphore_mem>>)
      %add3A_163 = arith.constant 2 : i32
      %add3A_164 = arith.addi %add3A_145, %add3A_163 : i32
      %lt3A_165 = arith.cmpi slt, %add3A_164, %select_n3A : i32
      %convert_element_type3A_166 = arith.extui %lt3A_165 : i1 to i32
      %cond3A_167 = arith.constant 0 : i32
      %cond3A_168 = arith.cmpi ne, %convert_element_type3A_166, %cond3A_167 : i32
      scf.if %cond3A_168 {
        %sub3A_169 = arith.constant 4 : i32
        %sub3A_170 = arith.subi %add3A_164, %sub3A_169 : i32
        %ge3A = arith.constant 0 : i32
        %ge3A_171 = arith.cmpi sge, %sub3A_170, %ge3A : i32
        %convert_element_type3A_172 = arith.extui %ge3A_171 : i1 to i32
        %cond3A_173 = arith.constant 0 : i32
        %cond3A_174 = arith.cmpi ne, %convert_element_type3A_172, %cond3A_173 : i32
        scf.if %cond3A_174 {
          %dma_wait3A_243 = arith.constant 0 : i32
          %dma_wait3A_244 = arith.constant 0 : i32
          %dma_wait3A_245 = tpu.memref_slice %arg6[%dma_wait3A_243, %dma_wait3A_244] : memref<163840x128xi32, #tpu.memory_space<hbm>> -> memref<64x128xi32, #tpu.memory_space<hbm>>
          %dma_wait3A_246 = arith.constant 0 : i32
          %dma_wait3A_247 = arith.constant 0 : i32
          %dma_wait3A_248 = tpu.memref_slice %arg6[%dma_wait3A_246, %dma_wait3A_247] : memref<163840x128xi32, #tpu.memory_space<hbm>> -> memref<64x128xi32, #tpu.memory_space<hbm>>
          tpu.wait_dma2 semaphore(%arg35 : memref<!tpu.dma_semaphore, #tpu.memory_space<semaphore_mem>>) src(%arg19 : memref<64x128xi32, #tpu.memory_space<vmem>>) dst(%dma_wait3A_248 : memref<64x128xi32, #tpu.memory_space<hbm>>)
          %dma_wait3A_249 = arith.constant 0 : i32
          %dma_wait3A_250 = arith.constant 0 : i32
          %dma_wait3A_251 = tpu.memref_slice %arg7[%dma_wait3A_249, %dma_wait3A_250] : memref<163840x128xi32, #tpu.memory_space<hbm>> -> memref<64x128xi32, #tpu.memory_space<hbm>>
          %dma_wait3A_252 = arith.constant 0 : i32
          %dma_wait3A_253 = arith.constant 0 : i32
          %dma_wait3A_254 = tpu.memref_slice %arg7[%dma_wait3A_252, %dma_wait3A_253] : memref<163840x128xi32, #tpu.memory_space<hbm>> -> memref<64x128xi32, #tpu.memory_space<hbm>>
          tpu.wait_dma2 semaphore(%arg39 : memref<!tpu.dma_semaphore, #tpu.memory_space<semaphore_mem>>) src(%arg23 : memref<64x128xi32, #tpu.memory_space<vmem>>) dst(%dma_wait3A_254 : memref<64x128xi32, #tpu.memory_space<hbm>>)
        } else {
        }
        %get3A = arith.index_cast %add3A_164 : i32 to index
        %get3A_175 = arith.constant 0 : index
        %get3A_176 = tpu.vector_load %arg8[%get3A, %get3A_175] {strides = array<i32>} : memref<80x64xi32, #tpu.memory_space<vmem>>, vector<1x16xi32>,
        %get3A_177 = vector.shape_cast %get3A_176 : vector<1x16xi32> to vector<16xi32>
        %swap3A = arith.constant 0 : index
        %swap3A_178 = tpu.vector_load %arg11[%swap3A] {strides = array<i32>} : memref<64xi32, #tpu.memory_space<vmem>>, vector<16xi32>,
        %swap3A_179 = vector.shape_cast %swap3A_178 : vector<16xi32> to vector<16xi32>
        %swap3A_180 = vector.shape_cast %get3A_177 : vector<16xi32> to vector<16xi32>
        tpu.vector_store %arg11[%swap3A], %swap3A_180 {strides = array<i32>} : memref<64xi32, #tpu.memory_space<vmem>>, vector<16xi32>,
        %get3A_181 = arith.index_cast %add3A_164 : i32 to index
        %get3A_182 = arith.constant 0 : index
        %get3A_183 = tpu.vector_load %arg9[%get3A_181, %get3A_182] {strides = array<i32>} : memref<80x64xi32, #tpu.memory_space<vmem>>, vector<1x16xi32>,
        %get3A_184 = vector.shape_cast %get3A_183 : vector<1x16xi32> to vector<16xi32>
        %swap3A_185 = arith.constant 0 : index
        %swap3A_186 = tpu.vector_load %arg15[%swap3A_185] {strides = array<i32>} : memref<64xi32, #tpu.memory_space<vmem>>, vector<16xi32>,
        %swap3A_187 = vector.shape_cast %swap3A_186 : vector<16xi32> to vector<16xi32>
        %swap3A_188 = vector.shape_cast %get3A_184 : vector<16xi32> to vector<16xi32>
        tpu.vector_store %arg15[%swap3A_185], %swap3A_188 {strides = array<i32>} : memref<64xi32, #tpu.memory_space<vmem>>, vector<16xi32>,
        %get3A_189 = arith.index_cast %add3A_164 : i32 to index
        %get3A_190 = arith.constant 16 : index
        %get3A_191 = tpu.vector_load %arg8[%get3A_189, %get3A_190] {strides = array<i32>} : memref<80x64xi32, #tpu.memory_space<vmem>>, vector<1x16xi32>,
        %get3A_192 = vector.shape_cast %get3A_191 : vector<1x16xi32> to vector<16xi32>
        %swap3A_193 = arith.constant 16 : index
        %swap3A_194 = tpu.vector_load %arg11[%swap3A_193] {strides = array<i32>} : memref<64xi32, #tpu.memory_space<vmem>>, vector<16xi32>,
        %swap3A_195 = vector.shape_cast %swap3A_194 : vector<16xi32> to vector<16xi32>
        %swap3A_196 = vector.shape_cast %get3A_192 : vector<16xi32> to vector<16xi32>
        tpu.vector_store %arg11[%swap3A_193], %swap3A_196 {strides = array<i32>} : memref<64xi32, #tpu.memory_space<vmem>>, vector<16xi32>,
        %get3A_197 = arith.index_cast %add3A_164 : i32 to index
        %get3A_198 = arith.constant 16 : index
        %get3A_199 = tpu.vector_load %arg9[%get3A_197, %get3A_198] {strides = array<i32>} : memref<80x64xi32, #tpu.memory_space<vmem>>, vector<1x16xi32>,
        %get3A_200 = vector.shape_cast %get3A_199 : vector<1x16xi32> to vector<16xi32>
        %swap3A_201 = arith.constant 16 : index
        %swap3A_202 = tpu.vector_load %arg15[%swap3A_201] {strides = array<i32>} : memref<64xi32, #tpu.memory_space<vmem>>, vector<16xi32>,
        %swap3A_203 = vector.shape_cast %swap3A_202 : vector<16xi32> to vector<16xi32>
        %swap3A_204 = vector.shape_cast %get3A_200 : vector<16xi32> to vector<16xi32>
        tpu.vector_store %arg15[%swap3A_201], %swap3A_204 {strides = array<i32>} : memref<64xi32, #tpu.memory_space<vmem>>, vector<16xi32>,
        %get3A_205 = arith.index_cast %add3A_164 : i32 to index
        %get3A_206 = arith.constant 32 : index
        %get3A_207 = tpu.vector_load %arg8[%get3A_205, %get3A_206] {strides = array<i32>} : memref<80x64xi32, #tpu.memory_space<vmem>>, vector<1x16xi32>,
        %get3A_208 = vector.shape_cast %get3A_207 : vector<1x16xi32> to vector<16xi32>
        %swap3A_209 = arith.constant 32 : index
        %swap3A_210 = tpu.vector_load %arg11[%swap3A_209] {strides = array<i32>} : memref<64xi32, #tpu.memory_space<vmem>>, vector<16xi32>,
        %swap3A_211 = vector.shape_cast %swap3A_210 : vector<16xi32> to vector<16xi32>
        %swap3A_212 = vector.shape_cast %get3A_208 : vector<16xi32> to vector<16xi32>
        tpu.vector_store %arg11[%swap3A_209], %swap3A_212 {strides = array<i32>} : memref<64xi32, #tpu.memory_space<vmem>>, vector<16xi32>,
        %get3A_213 = arith.index_cast %add3A_164 : i32 to index
        %get3A_214 = arith.constant 32 : index
        %get3A_215 = tpu.vector_load %arg9[%get3A_213, %get3A_214] {strides = array<i32>} : memref<80x64xi32, #tpu.memory_space<vmem>>, vector<1x16xi32>,
        %get3A_216 = vector.shape_cast %get3A_215 : vector<1x16xi32> to vector<16xi32>
        %swap3A_217 = arith.constant 32 : index
        %swap3A_218 = tpu.vector_load %arg15[%swap3A_217] {strides = array<i32>} : memref<64xi32, #tpu.memory_space<vmem>>, vector<16xi32>,
        %swap3A_219 = vector.shape_cast %swap3A_218 : vector<16xi32> to vector<16xi32>
        %swap3A_220 = vector.shape_cast %get3A_216 : vector<16xi32> to vector<16xi32>
        tpu.vector_store %arg15[%swap3A_217], %swap3A_220 {strides = array<i32>} : memref<64xi32, #tpu.memory_space<vmem>>, vector<16xi32>,
        %get3A_221 = arith.index_cast %add3A_164 : i32 to index
        %get3A_222 = arith.constant 48 : index
        %get3A_223 = tpu.vector_load %arg8[%get3A_221, %get3A_222] {strides = array<i32>} : memref<80x64xi32, #tpu.memory_space<vmem>>, vector<1x16xi32>,
        %get3A_224 = vector.shape_cast %get3A_223 : vector<1x16xi32> to vector<16xi32>
        %swap3A_225 = arith.constant 48 : index
        %swap3A_226 = tpu.vector_load %arg11[%swap3A_225] {strides = array<i32>} : memref<64xi32, #tpu.memory_space<vmem>>, vector<16xi32>,
        %swap3A_227 = vector.shape_cast %swap3A_226 : vector<16xi32> to vector<16xi32>
        %swap3A_228 = vector.shape_cast %get3A_224 : vector<16xi32> to vector<16xi32>
        tpu.vector_store %arg11[%swap3A_225], %swap3A_228 {strides = array<i32>} : memref<64xi32, #tpu.memory_space<vmem>>, vector<16xi32>,
        %get3A_229 = arith.index_cast %add3A_164 : i32 to index
        %get3A_230 = arith.constant 48 : index
        %get3A_231 = tpu.vector_load %arg9[%get3A_229, %get3A_230] {strides = array<i32>} : memref<80x64xi32, #tpu.memory_space<vmem>>, vector<1x16xi32>,
        %get3A_232 = vector.shape_cast %get3A_231 : vector<1x16xi32> to vector<16xi32>
        %swap3A_233 = arith.constant 48 : index
        %swap3A_234 = tpu.vector_load %arg15[%swap3A_233] {strides = array<i32>} : memref<64xi32, #tpu.memory_space<vmem>>, vector<16xi32>,
        %swap3A_235 = vector.shape_cast %swap3A_234 : vector<16xi32> to vector<16xi32>
        %swap3A_236 = vector.shape_cast %get3A_232 : vector<16xi32> to vector<16xi32>
        tpu.vector_store %arg15[%swap3A_233], %swap3A_236 {strides = array<i32>} : memref<64xi32, #tpu.memory_space<vmem>>, vector<16xi32>,
        %dma_start3A_237 = arith.constant 0 : i32
        %dma_start3A_238 = arith.constant 0 : i32
        %dma_start3A_239 = tpu.memref_slice %arg2[%dma_start3A_237, %dma_start3A_238] : memref<10000x128xi32, #tpu.memory_space<hbm>> -> memref<10000x128xi32, #tpu.memory_space<hbm>>
        tpu.enqueue_indirect_dma source(%dma_start3A_239 : memref<10000x128xi32, #tpu.memory_space<hbm>>) target(%arg19 : memref<64x128xi32, #tpu.memory_space<vmem>>) offsets(%arg11 : memref<64xi32, #tpu.memory_space<vmem>>) semaphore(%arg27 : memref<!tpu.dma_semaphore, #tpu.memory_space<semaphore_mem>>)
        %dma_start3A_240 = arith.constant 0 : i32
        %dma_start3A_241 = arith.constant 0 : i32
        %dma_start3A_242 = tpu.memref_slice %arg3[%dma_start3A_240, %dma_start3A_241] : memref<10000x128xi32, #tpu.memory_space<hbm>> -> memref<10000x128xi32, #tpu.memory_space<hbm>>
        tpu.enqueue_indirect_dma source(%dma_start3A_242 : memref<10000x128xi32, #tpu.memory_space<hbm>>) target(%arg23 : memref<64x128xi32, #tpu.memory_space<vmem>>) offsets(%arg15 : memref<64xi32, #tpu.memory_space<vmem>>) semaphore(%arg31 : memref<!tpu.dma_semaphore, #tpu.memory_space<semaphore_mem>>)
      } else {
      }
    }
    %while3A_42 = arith.constant 1 : i32
    scf.for %while3A_63 = %while3A_40 to %while3A_36 step %while3A_42  : i32 {
      %mul3A_64 = arith.constant 4 : i32
      %mul3A_65 = arith.muli %while3A_63, %mul3A_64 : i32
      %add3A_66 = arith.constant 0 : i32
      %add3A_67 = arith.addi %mul3A_65, %add3A_66 : i32
      %dma_wait3A = arith.constant 0 : i32
      %dma_wait3A_68 = arith.constant 0 : i32
      %dma_wait3A_69 = tpu.memref_slice %arg2[%dma_wait3A, %dma_wait3A_68] : memref<10000x128xi32, #tpu.memory_space<hbm>> -> memref<10000x128xi32, #tpu.memory_space<hbm>>
      tpu.wait_indirect_dma semaphore(%arg26 : memref<!tpu.dma_semaphore, #tpu.memory_space<semaphore_mem>>) src(%dma_wait3A_69 : memref<10000x128xi32, #tpu.memory_space<hbm>>) dst(%arg18 : memref<64x128xi32, #tpu.memory_space<vmem>>)
      %dma_wait3A_70 = arith.constant 0 : i32
      %dma_wait3A_71 = arith.constant 0 : i32
      %dma_wait3A_72 = tpu.memref_slice %arg3[%dma_wait3A_70, %dma_wait3A_71] : memref<10000x128xi32, #tpu.memory_space<hbm>> -> memref<10000x128xi32, #tpu.memory_space<hbm>>
      tpu.wait_indirect_dma semaphore(%arg30 : memref<!tpu.dma_semaphore, #tpu.memory_space<semaphore_mem>>) src(%dma_wait3A_72 : memref<10000x128xi32, #tpu.memory_space<hbm>>) dst(%arg22 : memref<64x128xi32, #tpu.memory_space<vmem>>)
      %add3A_73 = arith.addi %select_n3A_8, %add3A_67 : i32
      %mul3A_74 = arith.constant 64 : i32
      %mul3A_75 = arith.muli %add3A_73, %mul3A_74 : i32
      %dma_start3A = arith.constant 0 : i32
      %dma_start3A_76 = tpu.memref_slice %arg6[%mul3A_75, %dma_start3A] : memref<163840x128xi32, #tpu.memory_space<hbm>> -> memref<64x128xi32, #tpu.memory_space<hbm>>
      %dma_start3A_77 = arith.constant 0 : i32
      %dma_start3A_78 = tpu.memref_slice %arg6[%mul3A_75, %dma_start3A_77] : memref<163840x128xi32, #tpu.memory_space<hbm>> -> memref<64x128xi32, #tpu.memory_space<hbm>>
      tpu.enqueue_dma source(%arg18 : memref<64x128xi32, #tpu.memory_space<vmem>>) target(%dma_start3A_78 : memref<64x128xi32, #tpu.memory_space<hbm>>) target_semaphore(%arg34 : memref<!tpu.dma_semaphore, #tpu.memory_space<semaphore_mem>>)
      %dma_start3A_79 = arith.constant 0 : i32
      %dma_start3A_80 = tpu.memref_slice %arg7[%mul3A_75, %dma_start3A_79] : memref<163840x128xi32, #tpu.memory_space<hbm>> -> memref<64x128xi32, #tpu.memory_space<hbm>>
      %dma_start3A_81 = arith.constant 0 : i32
      %dma_start3A_82 = tpu.memref_slice %arg7[%mul3A_75, %dma_start3A_81] : memref<163840x128xi32, #tpu.memory_space<hbm>> -> memref<64x128xi32, #tpu.memory_space<hbm>>
      tpu.enqueue_dma source(%arg22 : memref<64x128xi32, #tpu.memory_space<vmem>>) target(%dma_start3A_82 : memref<64x128xi32, #tpu.memory_space<hbm>>) target_semaphore(%arg38 : memref<!tpu.dma_semaphore, #tpu.memory_space<semaphore_mem>>)
      %add3A_83 = arith.constant 2 : i32
      %add3A_84 = arith.addi %add3A_67, %add3A_83 : i32
      %lt3A = arith.cmpi slt, %add3A_84, %select_n3A : i32
      %convert_element_type3A_85 = arith.extui %lt3A : i1 to i32
      %cond3A_86 = arith.constant 0 : i32
      %cond3A_87 = arith.cmpi ne, %convert_element_type3A_85, %cond3A_86 : i32
      scf.if %cond3A_87 {
        %sub3A_169 = arith.constant 4 : i32
        %sub3A_170 = arith.subi %add3A_84, %sub3A_169 : i32
        %ge3A = arith.constant 0 : i32
        %ge3A_171 = arith.cmpi sge, %sub3A_170, %ge3A : i32
        %convert_element_type3A_172 = arith.extui %ge3A_171 : i1 to i32
        %cond3A_173 = arith.constant 0 : i32
        %cond3A_174 = arith.cmpi ne, %convert_element_type3A_172, %cond3A_173 : i32
        scf.if %cond3A_174 {
          %dma_wait3A_243 = arith.constant 0 : i32
          %dma_wait3A_244 = arith.constant 0 : i32
          %dma_wait3A_245 = tpu.memref_slice %arg6[%dma_wait3A_243, %dma_wait3A_244] : memref<163840x128xi32, #tpu.memory_space<hbm>> -> memref<64x128xi32, #tpu.memory_space<hbm>>
          %dma_wait3A_246 = arith.constant 0 : i32
          %dma_wait3A_247 = arith.constant 0 : i32
          %dma_wait3A_248 = tpu.memref_slice %arg6[%dma_wait3A_246, %dma_wait3A_247] : memref<163840x128xi32, #tpu.memory_space<hbm>> -> memref<64x128xi32, #tpu.memory_space<hbm>>
          tpu.wait_dma2 semaphore(%arg36 : memref<!tpu.dma_semaphore, #tpu.memory_space<semaphore_mem>>) src(%arg20 : memref<64x128xi32, #tpu.memory_space<vmem>>) dst(%dma_wait3A_248 : memref<64x128xi32, #tpu.memory_space<hbm>>)
          %dma_wait3A_249 = arith.constant 0 : i32
          %dma_wait3A_250 = arith.constant 0 : i32
          %dma_wait3A_251 = tpu.memref_slice %arg7[%dma_wait3A_249, %dma_wait3A_250] : memref<163840x128xi32, #tpu.memory_space<hbm>> -> memref<64x128xi32, #tpu.memory_space<hbm>>
          %dma_wait3A_252 = arith.constant 0 : i32
          %dma_wait3A_253 = arith.constant 0 : i32
          %dma_wait3A_254 = tpu.memref_slice %arg7[%dma_wait3A_252, %dma_wait3A_253] : memref<163840x128xi32, #tpu.memory_space<hbm>> -> memref<64x128xi32, #tpu.memory_space<hbm>>
          tpu.wait_dma2 semaphore(%arg40 : memref<!tpu.dma_semaphore, #tpu.memory_space<semaphore_mem>>) src(%arg24 : memref<64x128xi32, #tpu.memory_space<vmem>>) dst(%dma_wait3A_254 : memref<64x128xi32, #tpu.memory_space<hbm>>)
        } else {
        }
        %get3A = arith.index_cast %add3A_84 : i32 to index
        %get3A_175 = arith.constant 0 : index
        %get3A_176 = tpu.vector_load %arg8[%get3A, %get3A_175] {strides = array<i32>} : memref<80x64xi32, #tpu.memory_space<vmem>>, vector<1x16xi32>,
        %get3A_177 = vector.shape_cast %get3A_176 : vector<1x16xi32> to vector<16xi32>
        %swap3A = arith.constant 0 : index
        %swap3A_178 = tpu.vector_load %arg12[%swap3A] {strides = array<i32>} : memref<64xi32, #tpu.memory_space<vmem>>, vector<16xi32>,
        %swap3A_179 = vector.shape_cast %swap3A_178 : vector<16xi32> to vector<16xi32>
        %swap3A_180 = vector.shape_cast %get3A_177 : vector<16xi32> to vector<16xi32>
        tpu.vector_store %arg12[%swap3A], %swap3A_180 {strides = array<i32>} : memref<64xi32, #tpu.memory_space<vmem>>, vector<16xi32>,
        %get3A_181 = arith.index_cast %add3A_84 : i32 to index
        %get3A_182 = arith.constant 0 : index
        %get3A_183 = tpu.vector_load %arg9[%get3A_181, %get3A_182] {strides = array<i32>} : memref<80x64xi32, #tpu.memory_space<vmem>>, vector<1x16xi32>,
        %get3A_184 = vector.shape_cast %get3A_183 : vector<1x16xi32> to vector<16xi32>
        %swap3A_185 = arith.constant 0 : index
        %swap3A_186 = tpu.vector_load %arg16[%swap3A_185] {strides = array<i32>} : memref<64xi32, #tpu.memory_space<vmem>>, vector<16xi32>,
        %swap3A_187 = vector.shape_cast %swap3A_186 : vector<16xi32> to vector<16xi32>
        %swap3A_188 = vector.shape_cast %get3A_184 : vector<16xi32> to vector<16xi32>
        tpu.vector_store %arg16[%swap3A_185], %swap3A_188 {strides = array<i32>} : memref<64xi32, #tpu.memory_space<vmem>>, vector<16xi32>,
        %get3A_189 = arith.index_cast %add3A_84 : i32 to index
        %get3A_190 = arith.constant 16 : index
        %get3A_191 = tpu.vector_load %arg8[%get3A_189, %get3A_190] {strides = array<i32>} : memref<80x64xi32, #tpu.memory_space<vmem>>, vector<1x16xi32>,
        %get3A_192 = vector.shape_cast %get3A_191 : vector<1x16xi32> to vector<16xi32>
        %swap3A_193 = arith.constant 16 : index
        %swap3A_194 = tpu.vector_load %arg12[%swap3A_193] {strides = array<i32>} : memref<64xi32, #tpu.memory_space<vmem>>, vector<16xi32>,
        %swap3A_195 = vector.shape_cast %swap3A_194 : vector<16xi32> to vector<16xi32>
        %swap3A_196 = vector.shape_cast %get3A_192 : vector<16xi32> to vector<16xi32>
        tpu.vector_store %arg12[%swap3A_193], %swap3A_196 {strides = array<i32>} : memref<64xi32, #tpu.memory_space<vmem>>, vector<16xi32>,
        %get3A_197 = arith.index_cast %add3A_84 : i32 to index
        %get3A_198 = arith.constant 16 : index
        %get3A_199 = tpu.vector_load %arg9[%get3A_197, %get3A_198] {strides = array<i32>} : memref<80x64xi32, #tpu.memory_space<vmem>>, vector<1x16xi32>,
        %get3A_200 = vector.shape_cast %get3A_199 : vector<1x16xi32> to vector<16xi32>
        %swap3A_201 = arith.constant 16 : index
        %swap3A_202 = tpu.vector_load %arg16[%swap3A_201] {strides = array<i32>} : memref<64xi32, #tpu.memory_space<vmem>>, vector<16xi32>,
        %swap3A_203 = vector.shape_cast %swap3A_202 : vector<16xi32> to vector<16xi32>
        %swap3A_204 = vector.shape_cast %get3A_200 : vector<16xi32> to vector<16xi32>
        tpu.vector_store %arg16[%swap3A_201], %swap3A_204 {strides = array<i32>} : memref<64xi32, #tpu.memory_space<vmem>>, vector<16xi32>,
        %get3A_205 = arith.index_cast %add3A_84 : i32 to index
        %get3A_206 = arith.constant 32 : index
        %get3A_207 = tpu.vector_load %arg8[%get3A_205, %get3A_206] {strides = array<i32>} : memref<80x64xi32, #tpu.memory_space<vmem>>, vector<1x16xi32>,
        %get3A_208 = vector.shape_cast %get3A_207 : vector<1x16xi32> to vector<16xi32>
        %swap3A_209 = arith.constant 32 : index
        %swap3A_210 = tpu.vector_load %arg12[%swap3A_209] {strides = array<i32>} : memref<64xi32, #tpu.memory_space<vmem>>, vector<16xi32>,
        %swap3A_211 = vector.shape_cast %swap3A_210 : vector<16xi32> to vector<16xi32>
        %swap3A_212 = vector.shape_cast %get3A_208 : vector<16xi32> to vector<16xi32>
        tpu.vector_store %arg12[%swap3A_209], %swap3A_212 {strides = array<i32>} : memref<64xi32, #tpu.memory_space<vmem>>, vector<16xi32>,
        %get3A_213 = arith.index_cast %add3A_84 : i32 to index
        %get3A_214 = arith.constant 32 : index
        %get3A_215 = tpu.vector_load %arg9[%get3A_213, %get3A_214] {strides = array<i32>} : memref<80x64xi32, #tpu.memory_space<vmem>>, vector<1x16xi32>,
        %get3A_216 = vector.shape_cast %get3A_215 : vector<1x16xi32> to vector<16xi32>
        %swap3A_217 = arith.constant 32 : index
        %swap3A_218 = tpu.vector_load %arg16[%swap3A_217] {strides = array<i32>} : memref<64xi32, #tpu.memory_space<vmem>>, vector<16xi32>,
        %swap3A_219 = vector.shape_cast %swap3A_218 : vector<16xi32> to vector<16xi32>
        %swap3A_220 = vector.shape_cast %get3A_216 : vector<16xi32> to vector<16xi32>
        tpu.vector_store %arg16[%swap3A_217], %swap3A_220 {strides = array<i32>} : memref<64xi32, #tpu.memory_space<vmem>>, vector<16xi32>,
        %get3A_221 = arith.index_cast %add3A_84 : i32 to index
        %get3A_222 = arith.constant 48 : index
        %get3A_223 = tpu.vector_load %arg8[%get3A_221, %get3A_222] {strides = array<i32>} : memref<80x64xi32, #tpu.memory_space<vmem>>, vector<1x16xi32>,
        %get3A_224 = vector.shape_cast %get3A_223 : vector<1x16xi32> to vector<16xi32>
        %swap3A_225 = arith.constant 48 : index
        %swap3A_226 = tpu.vector_load %arg12[%swap3A_225] {strides = array<i32>} : memref<64xi32, #tpu.memory_space<vmem>>, vector<16xi32>,
        %swap3A_227 = vector.shape_cast %swap3A_226 : vector<16xi32> to vector<16xi32>
        %swap3A_228 = vector.shape_cast %get3A_224 : vector<16xi32> to vector<16xi32>
        tpu.vector_store %arg12[%swap3A_225], %swap3A_228 {strides = array<i32>} : memref<64xi32, #tpu.memory_space<vmem>>, vector<16xi32>,
        %get3A_229 = arith.index_cast %add3A_84 : i32 to index
        %get3A_230 = arith.constant 48 : index
        %get3A_231 = tpu.vector_load %arg9[%get3A_229, %get3A_230] {strides = array<i32>} : memref<80x64xi32, #tpu.memory_space<vmem>>, vector<1x16xi32>,
        %get3A_232 = vector.shape_cast %get3A_231 : vector<1x16xi32> to vector<16xi32>
        %swap3A_233 = arith.constant 48 : index
        %swap3A_234 = tpu.vector_load %arg16[%swap3A_233] {strides = array<i32>} : memref<64xi32, #tpu.memory_space<vmem>>, vector<16xi32>,
        %swap3A_235 = vector.shape_cast %swap3A_234 : vector<16xi32> to vector<16xi32>
        %swap3A_236 = vector.shape_cast %get3A_232 : vector<16xi32> to vector<16xi32>
        tpu.vector_store %arg16[%swap3A_233], %swap3A_236 {strides = array<i32>} : memref<64xi32, #tpu.memory_space<vmem>>, vector<16xi32>,
        %dma_start3A_237 = arith.constant 0 : i32
        %dma_start3A_238 = arith.constant 0 : i32
        %dma_start3A_239 = tpu.memref_slice %arg2[%dma_start3A_237, %dma_start3A_238] : memref<10000x128xi32, #tpu.memory_space<hbm>> -> memref<10000x128xi32, #tpu.memory_space<hbm>>
        tpu.enqueue_indirect_dma source(%dma_start3A_239 : memref<10000x128xi32, #tpu.memory_space<hbm>>) target(%arg20 : memref<64x128xi32, #tpu.memory_space<vmem>>) offsets(%arg12 : memref<64xi32, #tpu.memory_space<vmem>>) semaphore(%arg28 : memref<!tpu.dma_semaphore, #tpu.memory_space<semaphore_mem>>)
        %dma_start3A_240 = arith.constant 0 : i32
        %dma_start3A_241 = arith.constant 0 : i32
        %dma_start3A_242 = tpu.memref_slice %arg3[%dma_start3A_240, %dma_start3A_241] : memref<10000x128xi32, #tpu.memory_space<hbm>> -> memref<10000x128xi32, #tpu.memory_space<hbm>>
        tpu.enqueue_indirect_dma source(%dma_start3A_242 : memref<10000x128xi32, #tpu.memory_space<hbm>>) target(%arg24 : memref<64x128xi32, #tpu.memory_space<vmem>>) offsets(%arg16 : memref<64xi32, #tpu.memory_space<vmem>>) semaphore(%arg32 : memref<!tpu.dma_semaphore, #tpu.memory_space<semaphore_mem>>)
      } else {
      }
      %mul3A_88 = arith.constant 4 : i32
      %mul3A_89 = arith.muli %while3A_63, %mul3A_88 : i32
      %add3A_90 = arith.constant 1 : i32
      %add3A_91 = arith.addi %mul3A_89, %add3A_90 : i32
      %dma_wait3A_92 = arith.constant 0 : i32
      %dma_wait3A_93 = arith.constant 0 : i32
      %dma_wait3A_94 = tpu.memref_slice %arg2[%dma_wait3A_92, %dma_wait3A_93] : memref<10000x128xi32, #tpu.memory_space<hbm>> -> memref<10000x128xi32, #tpu.memory_space<hbm>>
      tpu.wait_indirect_dma semaphore(%arg27 : memref<!tpu.dma_semaphore, #tpu.memory_space<semaphore_mem>>) src(%dma_wait3A_94 : memref<10000x128xi32, #tpu.memory_space<hbm>>) dst(%arg19 : memref<64x128xi32, #tpu.memory_space<vmem>>)
      %dma_wait3A_95 = arith.constant 0 : i32
      %dma_wait3A_96 = arith.constant 0 : i32
      %dma_wait3A_97 = tpu.memref_slice %arg3[%dma_wait3A_95, %dma_wait3A_96] : memref<10000x128xi32, #tpu.memory_space<hbm>> -> memref<10000x128xi32, #tpu.memory_space<hbm>>
      tpu.wait_indirect_dma semaphore(%arg31 : memref<!tpu.dma_semaphore, #tpu.memory_space<semaphore_mem>>) src(%dma_wait3A_97 : memref<10000x128xi32, #tpu.memory_space<hbm>>) dst(%arg23 : memref<64x128xi32, #tpu.memory_space<vmem>>)
      %add3A_98 = arith.addi %select_n3A_8, %add3A_91 : i32
      %mul3A_99 = arith.constant 64 : i32
      %mul3A_100 = arith.muli %add3A_98, %mul3A_99 : i32
      %dma_start3A_101 = arith.constant 0 : i32
      %dma_start3A_102 = tpu.memref_slice %arg6[%mul3A_100, %dma_start3A_101] : memref<163840x128xi32, #tpu.memory_space<hbm>> -> memref<64x128xi32, #tpu.memory_space<hbm>>
      %dma_start3A_103 = arith.constant 0 : i32
      %dma_start3A_104 = tpu.memref_slice %arg6[%mul3A_100, %dma_start3A_103] : memref<163840x128xi32, #tpu.memory_space<hbm>> -> memref<64x128xi32, #tpu.memory_space<hbm>>
      tpu.enqueue_dma source(%arg19 : memref<64x128xi32, #tpu.memory_space<vmem>>) target(%dma_start3A_104 : memref<64x128xi32, #tpu.memory_space<hbm>>) target_semaphore(%arg35 : memref<!tpu.dma_semaphore, #tpu.memory_space<semaphore_mem>>)
      %dma_start3A_105 = arith.constant 0 : i32
      %dma_start3A_106 = tpu.memref_slice %arg7[%mul3A_100, %dma_start3A_105] : memref<163840x128xi32, #tpu.memory_space<hbm>> -> memref<64x128xi32, #tpu.memory_space<hbm>>
      %dma_start3A_107 = arith.constant 0 : i32
      %dma_start3A_108 = tpu.memref_slice %arg7[%mul3A_100, %dma_start3A_107] : memref<163840x128xi32, #tpu.memory_space<hbm>> -> memref<64x128xi32, #tpu.memory_space<hbm>>
      tpu.enqueue_dma source(%arg23 : memref<64x128xi32, #tpu.memory_space<vmem>>) target(%dma_start3A_108 : memref<64x128xi32, #tpu.memory_space<hbm>>) target_semaphore(%arg39 : memref<!tpu.dma_semaphore, #tpu.memory_space<semaphore_mem>>)
      %add3A_109 = arith.constant 2 : i32
      %add3A_110 = arith.addi %add3A_91, %add3A_109 : i32
      %lt3A_111 = arith.cmpi slt, %add3A_110, %select_n3A : i32
      %convert_element_type3A_112 = arith.extui %lt3A_111 : i1 to i32
      %cond3A_113 = arith.constant 0 : i32
      %cond3A_114 = arith.cmpi ne, %convert_element_type3A_112, %cond3A_113 : i32
      scf.if %cond3A_114 {
        %sub3A_169 = arith.constant 4 : i32
        %sub3A_170 = arith.subi %add3A_110, %sub3A_169 : i32
        %ge3A = arith.constant 0 : i32
        %ge3A_171 = arith.cmpi sge, %sub3A_170, %ge3A : i32
        %convert_element_type3A_172 = arith.extui %ge3A_171 : i1 to i32
        %cond3A_173 = arith.constant 0 : i32
        %cond3A_174 = arith.cmpi ne, %convert_element_type3A_172, %cond3A_173 : i32
        scf.if %cond3A_174 {
          %dma_wait3A_243 = arith.constant 0 : i32
          %dma_wait3A_244 = arith.constant 0 : i32
          %dma_wait3A_245 = tpu.memref_slice %arg6[%dma_wait3A_243, %dma_wait3A_244] : memref<163840x128xi32, #tpu.memory_space<hbm>> -> memref<64x128xi32, #tpu.memory_space<hbm>>
          %dma_wait3A_246 = arith.constant 0 : i32
          %dma_wait3A_247 = arith.constant 0 : i32
          %dma_wait3A_248 = tpu.memref_slice %arg6[%dma_wait3A_246, %dma_wait3A_247] : memref<163840x128xi32, #tpu.memory_space<hbm>> -> memref<64x128xi32, #tpu.memory_space<hbm>>
          tpu.wait_dma2 semaphore(%arg37 : memref<!tpu.dma_semaphore, #tpu.memory_space<semaphore_mem>>) src(%arg21 : memref<64x128xi32, #tpu.memory_space<vmem>>) dst(%dma_wait3A_248 : memref<64x128xi32, #tpu.memory_space<hbm>>)
          %dma_wait3A_249 = arith.constant 0 : i32
          %dma_wait3A_250 = arith.constant 0 : i32
          %dma_wait3A_251 = tpu.memref_slice %arg7[%dma_wait3A_249, %dma_wait3A_250] : memref<163840x128xi32, #tpu.memory_space<hbm>> -> memref<64x128xi32, #tpu.memory_space<hbm>>
          %dma_wait3A_252 = arith.constant 0 : i32
          %dma_wait3A_253 = arith.constant 0 : i32
          %dma_wait3A_254 = tpu.memref_slice %arg7[%dma_wait3A_252, %dma_wait3A_253] : memref<163840x128xi32, #tpu.memory_space<hbm>> -> memref<64x128xi32, #tpu.memory_space<hbm>>
          tpu.wait_dma2 semaphore(%arg41 : memref<!tpu.dma_semaphore, #tpu.memory_space<semaphore_mem>>) src(%arg25 : memref<64x128xi32, #tpu.memory_space<vmem>>) dst(%dma_wait3A_254 : memref<64x128xi32, #tpu.memory_space<hbm>>)
        } else {
        }
        %get3A = arith.index_cast %add3A_110 : i32 to index
        %get3A_175 = arith.constant 0 : index
        %get3A_176 = tpu.vector_load %arg8[%get3A, %get3A_175] {strides = array<i32>} : memref<80x64xi32, #tpu.memory_space<vmem>>, vector<1x16xi32>,
        %get3A_177 = vector.shape_cast %get3A_176 : vector<1x16xi32> to vector<16xi32>
        %swap3A = arith.constant 0 : index
        %swap3A_178 = tpu.vector_load %arg13[%swap3A] {strides = array<i32>} : memref<64xi32, #tpu.memory_space<vmem>>, vector<16xi32>,
        %swap3A_179 = vector.shape_cast %swap3A_178 : vector<16xi32> to vector<16xi32>
        %swap3A_180 = vector.shape_cast %get3A_177 : vector<16xi32> to vector<16xi32>
        tpu.vector_store %arg13[%swap3A], %swap3A_180 {strides = array<i32>} : memref<64xi32, #tpu.memory_space<vmem>>, vector<16xi32>,
        %get3A_181 = arith.index_cast %add3A_110 : i32 to index
        %get3A_182 = arith.constant 0 : index
        %get3A_183 = tpu.vector_load %arg9[%get3A_181, %get3A_182] {strides = array<i32>} : memref<80x64xi32, #tpu.memory_space<vmem>>, vector<1x16xi32>,
        %get3A_184 = vector.shape_cast %get3A_183 : vector<1x16xi32> to vector<16xi32>
        %swap3A_185 = arith.constant 0 : index
        %swap3A_186 = tpu.vector_load %arg17[%swap3A_185] {strides = array<i32>} : memref<64xi32, #tpu.memory_space<vmem>>, vector<16xi32>,
        %swap3A_187 = vector.shape_cast %swap3A_186 : vector<16xi32> to vector<16xi32>
        %swap3A_188 = vector.shape_cast %get3A_184 : vector<16xi32> to vector<16xi32>
        tpu.vector_store %arg17[%swap3A_185], %swap3A_188 {strides = array<i32>} : memref<64xi32, #tpu.memory_space<vmem>>, vector<16xi32>,
        %get3A_189 = arith.index_cast %add3A_110 : i32 to index
        %get3A_190 = arith.constant 16 : index
        %get3A_191 = tpu.vector_load %arg8[%get3A_189, %get3A_190] {strides = array<i32>} : memref<80x64xi32, #tpu.memory_space<vmem>>, vector<1x16xi32>,
        %get3A_192 = vector.shape_cast %get3A_191 : vector<1x16xi32> to vector<16xi32>
        %swap3A_193 = arith.constant 16 : index
        %swap3A_194 = tpu.vector_load %arg13[%swap3A_193] {strides = array<i32>} : memref<64xi32, #tpu.memory_space<vmem>>, vector<16xi32>,
        %swap3A_195 = vector.shape_cast %swap3A_194 : vector<16xi32> to vector<16xi32>
        %swap3A_196 = vector.shape_cast %get3A_192 : vector<16xi32> to vector<16xi32>
        tpu.vector_store %arg13[%swap3A_193], %swap3A_196 {strides = array<i32>} : memref<64xi32, #tpu.memory_space<vmem>>, vector<16xi32>,
        %get3A_197 = arith.index_cast %add3A_110 : i32 to index
        %get3A_198 = arith.constant 16 : index
        %get3A_199 = tpu.vector_load %arg9[%get3A_197, %get3A_198] {strides = array<i32>} : memref<80x64xi32, #tpu.memory_space<vmem>>, vector<1x16xi32>,
        %get3A_200 = vector.shape_cast %get3A_199 : vector<1x16xi32> to vector<16xi32>
        %swap3A_201 = arith.constant 16 : index
        %swap3A_202 = tpu.vector_load %arg17[%swap3A_201] {strides = array<i32>} : memref<64xi32, #tpu.memory_space<vmem>>, vector<16xi32>,
        %swap3A_203 = vector.shape_cast %swap3A_202 : vector<16xi32> to vector<16xi32>
        %swap3A_204 = vector.shape_cast %get3A_200 : vector<16xi32> to vector<16xi32>
        tpu.vector_store %arg17[%swap3A_201], %swap3A_204 {strides = array<i32>} : memref<64xi32, #tpu.memory_space<vmem>>, vector<16xi32>,
        %get3A_205 = arith.index_cast %add3A_110 : i32 to index
        %get3A_206 = arith.constant 32 : index
        %get3A_207 = tpu.vector_load %arg8[%get3A_205, %get3A_206] {strides = array<i32>} : memref<80x64xi32, #tpu.memory_space<vmem>>, vector<1x16xi32>,
        %get3A_208 = vector.shape_cast %get3A_207 : vector<1x16xi32> to vector<16xi32>
        %swap3A_209 = arith.constant 32 : index
        %swap3A_210 = tpu.vector_load %arg13[%swap3A_209] {strides = array<i32>} : memref<64xi32, #tpu.memory_space<vmem>>, vector<16xi32>,
        %swap3A_211 = vector.shape_cast %swap3A_210 : vector<16xi32> to vector<16xi32>
        %swap3A_212 = vector.shape_cast %get3A_208 : vector<16xi32> to vector<16xi32>
        tpu.vector_store %arg13[%swap3A_209], %swap3A_212 {strides = array<i32>} : memref<64xi32, #tpu.memory_space<vmem>>, vector<16xi32>,
        %get3A_213 = arith.index_cast %add3A_110 : i32 to index
        %get3A_214 = arith.constant 32 : index
        %get3A_215 = tpu.vector_load %arg9[%get3A_213, %get3A_214] {strides = array<i32>} : memref<80x64xi32, #tpu.memory_space<vmem>>, vector<1x16xi32>,
        %get3A_216 = vector.shape_cast %get3A_215 : vector<1x16xi32> to vector<16xi32>
        %swap3A_217 = arith.constant 32 : index
        %swap3A_218 = tpu.vector_load %arg17[%swap3A_217] {strides = array<i32>} : memref<64xi32, #tpu.memory_space<vmem>>, vector<16xi32>,
        %swap3A_219 = vector.shape_cast %swap3A_218 : vector<16xi32> to vector<16xi32>
        %swap3A_220 = vector.shape_cast %get3A_216 : vector<16xi32> to vector<16xi32>
        tpu.vector_store %arg17[%swap3A_217], %swap3A_220 {strides = array<i32>} : memref<64xi32, #tpu.memory_space<vmem>>, vector<16xi32>,
        %get3A_221 = arith.index_cast %add3A_110 : i32 to index
        %get3A_222 = arith.constant 48 : index
        %get3A_223 = tpu.vector_load %arg8[%get3A_221, %get3A_222] {strides = array<i32>} : memref<80x64xi32, #tpu.memory_space<vmem>>, vector<1x16xi32>,
        %get3A_224 = vector.shape_cast %get3A_223 : vector<1x16xi32> to vector<16xi32>
        %swap3A_225 = arith.constant 48 : index
        %swap3A_226 = tpu.vector_load %arg13[%swap3A_225] {strides = array<i32>} : memref<64xi32, #tpu.memory_space<vmem>>, vector<16xi32>,
        %swap3A_227 = vector.shape_cast %swap3A_226 : vector<16xi32> to vector<16xi32>
        %swap3A_228 = vector.shape_cast %get3A_224 : vector<16xi32> to vector<16xi32>
        tpu.vector_store %arg13[%swap3A_225], %swap3A_228 {strides = array<i32>} : memref<64xi32, #tpu.memory_space<vmem>>, vector<16xi32>,
        %get3A_229 = arith.index_cast %add3A_110 : i32 to index
        %get3A_230 = arith.constant 48 : index
        %get3A_231 = tpu.vector_load %arg9[%get3A_229, %get3A_230] {strides = array<i32>} : memref<80x64xi32, #tpu.memory_space<vmem>>, vector<1x16xi32>,
        %get3A_232 = vector.shape_cast %get3A_231 : vector<1x16xi32> to vector<16xi32>
        %swap3A_233 = arith.constant 48 : index
        %swap3A_234 = tpu.vector_load %arg17[%swap3A_233] {strides = array<i32>} : memref<64xi32, #tpu.memory_space<vmem>>, vector<16xi32>,
        %swap3A_235 = vector.shape_cast %swap3A_234 : vector<16xi32> to vector<16xi32>
        %swap3A_236 = vector.shape_cast %get3A_232 : vector<16xi32> to vector<16xi32>
        tpu.vector_store %arg17[%swap3A_233], %swap3A_236 {strides = array<i32>} : memref<64xi32, #tpu.memory_space<vmem>>, vector<16xi32>,
        %dma_start3A_237 = arith.constant 0 : i32
        %dma_start3A_238 = arith.constant 0 : i32
        %dma_start3A_239 = tpu.memref_slice %arg2[%dma_start3A_237, %dma_start3A_238] : memref<10000x128xi32, #tpu.memory_space<hbm>> -> memref<10000x128xi32, #tpu.memory_space<hbm>>
        tpu.enqueue_indirect_dma source(%dma_start3A_239 : memref<10000x128xi32, #tpu.memory_space<hbm>>) target(%arg21 : memref<64x128xi32, #tpu.memory_space<vmem>>) offsets(%arg13 : memref<64xi32, #tpu.memory_space<vmem>>) semaphore(%arg29 : memref<!tpu.dma_semaphore, #tpu.memory_space<semaphore_mem>>)
        %dma_start3A_240 = arith.constant 0 : i32
        %dma_start3A_241 = arith.constant 0 : i32
        %dma_start3A_242 = tpu.memref_slice %arg3[%dma_start3A_240, %dma_start3A_241] : memref<10000x128xi32, #tpu.memory_space<hbm>> -> memref<10000x128xi32, #tpu.memory_space<hbm>>
        tpu.enqueue_indirect_dma source(%dma_start3A_242 : memref<10000x128xi32, #tpu.memory_space<hbm>>) target(%arg25 : memref<64x128xi32, #tpu.memory_space<vmem>>) offsets(%arg17 : memref<64xi32, #tpu.memory_space<vmem>>) semaphore(%arg33 : memref<!tpu.dma_semaphore, #tpu.memory_space<semaphore_mem>>)
      } else {
      }
      %mul3A_115 = arith.constant 4 : i32
      %mul3A_116 = arith.muli %while3A_63, %mul3A_115 : i32
      %add3A_117 = arith.constant 2 : i32
      %add3A_118 = arith.addi %mul3A_116, %add3A_117 : i32
      %dma_wait3A_119 = arith.constant 0 : i32
      %dma_wait3A_120 = arith.constant 0 : i32
      %dma_wait3A_121 = tpu.memref_slice %arg2[%dma_wait3A_119, %dma_wait3A_120] : memref<10000x128xi32, #tpu.memory_space<hbm>> -> memref<10000x128xi32, #tpu.memory_space<hbm>>
      tpu.wait_indirect_dma semaphore(%arg28 : memref<!tpu.dma_semaphore, #tpu.memory_space<semaphore_mem>>) src(%dma_wait3A_121 : memref<10000x128xi32, #tpu.memory_space<hbm>>) dst(%arg20 : memref<64x128xi32, #tpu.memory_space<vmem>>)
      %dma_wait3A_122 = arith.constant 0 : i32
      %dma_wait3A_123 = arith.constant 0 : i32
      %dma_wait3A_124 = tpu.memref_slice %arg3[%dma_wait3A_122, %dma_wait3A_123] : memref<10000x128xi32, #tpu.memory_space<hbm>> -> memref<10000x128xi32, #tpu.memory_space<hbm>>
      tpu.wait_indirect_dma semaphore(%arg32 : memref<!tpu.dma_semaphore, #tpu.memory_space<semaphore_mem>>) src(%dma_wait3A_124 : memref<10000x128xi32, #tpu.memory_space<hbm>>) dst(%arg24 : memref<64x128xi32, #tpu.memory_space<vmem>>)
      %add3A_125 = arith.addi %select_n3A_8, %add3A_118 : i32
      %mul3A_126 = arith.constant 64 : i32
      %mul3A_127 = arith.muli %add3A_125, %mul3A_126 : i32
      %dma_start3A_128 = arith.constant 0 : i32
      %dma_start3A_129 = tpu.memref_slice %arg6[%mul3A_127, %dma_start3A_128] : memref<163840x128xi32, #tpu.memory_space<hbm>> -> memref<64x128xi32, #tpu.memory_space<hbm>>
      %dma_start3A_130 = arith.constant 0 : i32
      %dma_start3A_131 = tpu.memref_slice %arg6[%mul3A_127, %dma_start3A_130] : memref<163840x128xi32, #tpu.memory_space<hbm>> -> memref<64x128xi32, #tpu.memory_space<hbm>>
      tpu.enqueue_dma source(%arg20 : memref<64x128xi32, #tpu.memory_space<vmem>>) target(%dma_start3A_131 : memref<64x128xi32, #tpu.memory_space<hbm>>) target_semaphore(%arg36 : memref<!tpu.dma_semaphore, #tpu.memory_space<semaphore_mem>>)
      %dma_start3A_132 = arith.constant 0 : i32
      %dma_start3A_133 = tpu.memref_slice %arg7[%mul3A_127, %dma_start3A_132] : memref<163840x128xi32, #tpu.memory_space<hbm>> -> memref<64x128xi32, #tpu.memory_space<hbm>>
      %dma_start3A_134 = arith.constant 0 : i32
      %dma_start3A_135 = tpu.memref_slice %arg7[%mul3A_127, %dma_start3A_134] : memref<163840x128xi32, #tpu.memory_space<hbm>> -> memref<64x128xi32, #tpu.memory_space<hbm>>
      tpu.enqueue_dma source(%arg24 : memref<64x128xi32, #tpu.memory_space<vmem>>) target(%dma_start3A_135 : memref<64x128xi32, #tpu.memory_space<hbm>>) target_semaphore(%arg40 : memref<!tpu.dma_semaphore, #tpu.memory_space<semaphore_mem>>)
      %add3A_136 = arith.constant 2 : i32
      %add3A_137 = arith.addi %add3A_118, %add3A_136 : i32
      %lt3A_138 = arith.cmpi slt, %add3A_137, %select_n3A : i32
      %convert_element_type3A_139 = arith.extui %lt3A_138 : i1 to i32
      %cond3A_140 = arith.constant 0 : i32
      %cond3A_141 = arith.cmpi ne, %convert_element_type3A_139, %cond3A_140 : i32
      scf.if %cond3A_141 {
        %sub3A_169 = arith.constant 4 : i32
        %sub3A_170 = arith.subi %add3A_137, %sub3A_169 : i32
        %ge3A = arith.constant 0 : i32
        %ge3A_171 = arith.cmpi sge, %sub3A_170, %ge3A : i32
        %convert_element_type3A_172 = arith.extui %ge3A_171 : i1 to i32
        %cond3A_173 = arith.constant 0 : i32
        %cond3A_174 = arith.cmpi ne, %convert_element_type3A_172, %cond3A_173 : i32
        scf.if %cond3A_174 {
          %dma_wait3A_243 = arith.constant 0 : i32
          %dma_wait3A_244 = arith.constant 0 : i32
          %dma_wait3A_245 = tpu.memref_slice %arg6[%dma_wait3A_243, %dma_wait3A_244] : memref<163840x128xi32, #tpu.memory_space<hbm>> -> memref<64x128xi32, #tpu.memory_space<hbm>>
          %dma_wait3A_246 = arith.constant 0 : i32
          %dma_wait3A_247 = arith.constant 0 : i32
          %dma_wait3A_248 = tpu.memref_slice %arg6[%dma_wait3A_246, %dma_wait3A_247] : memref<163840x128xi32, #tpu.memory_space<hbm>> -> memref<64x128xi32, #tpu.memory_space<hbm>>
          tpu.wait_dma2 semaphore(%arg34 : memref<!tpu.dma_semaphore, #tpu.memory_space<semaphore_mem>>) src(%arg18 : memref<64x128xi32, #tpu.memory_space<vmem>>) dst(%dma_wait3A_248 : memref<64x128xi32, #tpu.memory_space<hbm>>)
          %dma_wait3A_249 = arith.constant 0 : i32
          %dma_wait3A_250 = arith.constant 0 : i32
          %dma_wait3A_251 = tpu.memref_slice %arg7[%dma_wait3A_249, %dma_wait3A_250] : memref<163840x128xi32, #tpu.memory_space<hbm>> -> memref<64x128xi32, #tpu.memory_space<hbm>>
          %dma_wait3A_252 = arith.constant 0 : i32
          %dma_wait3A_253 = arith.constant 0 : i32
          %dma_wait3A_254 = tpu.memref_slice %arg7[%dma_wait3A_252, %dma_wait3A_253] : memref<163840x128xi32, #tpu.memory_space<hbm>> -> memref<64x128xi32, #tpu.memory_space<hbm>>
          tpu.wait_dma2 semaphore(%arg38 : memref<!tpu.dma_semaphore, #tpu.memory_space<semaphore_mem>>) src(%arg22 : memref<64x128xi32, #tpu.memory_space<vmem>>) dst(%dma_wait3A_254 : memref<64x128xi32, #tpu.memory_space<hbm>>)
        } else {
        }
        %get3A = arith.index_cast %add3A_137 : i32 to index
        %get3A_175 = arith.constant 0 : index
        %get3A_176 = tpu.vector_load %arg8[%get3A, %get3A_175] {strides = array<i32>} : memref<80x64xi32, #tpu.memory_space<vmem>>, vector<1x16xi32>,
        %get3A_177 = vector.shape_cast %get3A_176 : vector<1x16xi32> to vector<16xi32>
        %swap3A = arith.constant 0 : index
        %swap3A_178 = tpu.vector_load %arg10[%swap3A] {strides = array<i32>} : memref<64xi32, #tpu.memory_space<vmem>>, vector<16xi32>,
        %swap3A_179 = vector.shape_cast %swap3A_178 : vector<16xi32> to vector<16xi32>
        %swap3A_180 = vector.shape_cast %get3A_177 : vector<16xi32> to vector<16xi32>
        tpu.vector_store %arg10[%swap3A], %swap3A_180 {strides = array<i32>} : memref<64xi32, #tpu.memory_space<vmem>>, vector<16xi32>,
        %get3A_181 = arith.index_cast %add3A_137 : i32 to index
        %get3A_182 = arith.constant 0 : index
        %get3A_183 = tpu.vector_load %arg9[%get3A_181, %get3A_182] {strides = array<i32>} : memref<80x64xi32, #tpu.memory_space<vmem>>, vector<1x16xi32>,
        %get3A_184 = vector.shape_cast %get3A_183 : vector<1x16xi32> to vector<16xi32>
        %swap3A_185 = arith.constant 0 : index
        %swap3A_186 = tpu.vector_load %arg14[%swap3A_185] {strides = array<i32>} : memref<64xi32, #tpu.memory_space<vmem>>, vector<16xi32>,
        %swap3A_187 = vector.shape_cast %swap3A_186 : vector<16xi32> to vector<16xi32>
        %swap3A_188 = vector.shape_cast %get3A_184 : vector<16xi32> to vector<16xi32>
        tpu.vector_store %arg14[%swap3A_185], %swap3A_188 {strides = array<i32>} : memref<64xi32, #tpu.memory_space<vmem>>, vector<16xi32>,
        %get3A_189 = arith.index_cast %add3A_137 : i32 to index
        %get3A_190 = arith.constant 16 : index
        %get3A_191 = tpu.vector_load %arg8[%get3A_189, %get3A_190] {strides = array<i32>} : memref<80x64xi32, #tpu.memory_space<vmem>>, vector<1x16xi32>,
        %get3A_192 = vector.shape_cast %get3A_191 : vector<1x16xi32> to vector<16xi32>
        %swap3A_193 = arith.constant 16 : index
        %swap3A_194 = tpu.vector_load %arg10[%swap3A_193] {strides = array<i32>} : memref<64xi32, #tpu.memory_space<vmem>>, vector<16xi32>,
        %swap3A_195 = vector.shape_cast %swap3A_194 : vector<16xi32> to vector<16xi32>
        %swap3A_196 = vector.shape_cast %get3A_192 : vector<16xi32> to vector<16xi32>
        tpu.vector_store %arg10[%swap3A_193], %swap3A_196 {strides = array<i32>} : memref<64xi32, #tpu.memory_space<vmem>>, vector<16xi32>,
        %get3A_197 = arith.index_cast %add3A_137 : i32 to index
        %get3A_198 = arith.constant 16 : index
        %get3A_199 = tpu.vector_load %arg9[%get3A_197, %get3A_198] {strides = array<i32>} : memref<80x64xi32, #tpu.memory_space<vmem>>, vector<1x16xi32>,
        %get3A_200 = vector.shape_cast %get3A_199 : vector<1x16xi32> to vector<16xi32>
        %swap3A_201 = arith.constant 16 : index
        %swap3A_202 = tpu.vector_load %arg14[%swap3A_201] {strides = array<i32>} : memref<64xi32, #tpu.memory_space<vmem>>, vector<16xi32>,
        %swap3A_203 = vector.shape_cast %swap3A_202 : vector<16xi32> to vector<16xi32>
        %swap3A_204 = vector.shape_cast %get3A_200 : vector<16xi32> to vector<16xi32>
        tpu.vector_store %arg14[%swap3A_201], %swap3A_204 {strides = array<i32>} : memref<64xi32, #tpu.memory_space<vmem>>, vector<16xi32>,
        %get3A_205 = arith.index_cast %add3A_137 : i32 to index
        %get3A_206 = arith.constant 32 : index
        %get3A_207 = tpu.vector_load %arg8[%get3A_205, %get3A_206] {strides = array<i32>} : memref<80x64xi32, #tpu.memory_space<vmem>>, vector<1x16xi32>,
        %get3A_208 = vector.shape_cast %get3A_207 : vector<1x16xi32> to vector<16xi32>
        %swap3A_209 = arith.constant 32 : index
        %swap3A_210 = tpu.vector_load %arg10[%swap3A_209] {strides = array<i32>} : memref<64xi32, #tpu.memory_space<vmem>>, vector<16xi32>,
        %swap3A_211 = vector.shape_cast %swap3A_210 : vector<16xi32> to vector<16xi32>
        %swap3A_212 = vector.shape_cast %get3A_208 : vector<16xi32> to vector<16xi32>
        tpu.vector_store %arg10[%swap3A_209], %swap3A_212 {strides = array<i32>} : memref<64xi32, #tpu.memory_space<vmem>>, vector<16xi32>,
        %get3A_213 = arith.index_cast %add3A_137 : i32 to index
        %get3A_214 = arith.constant 32 : index
        %get3A_215 = tpu.vector_load %arg9[%get3A_213, %get3A_214] {strides = array<i32>} : memref<80x64xi32, #tpu.memory_space<vmem>>, vector<1x16xi32>,
        %get3A_216 = vector.shape_cast %get3A_215 : vector<1x16xi32> to vector<16xi32>
        %swap3A_217 = arith.constant 32 : index
        %swap3A_218 = tpu.vector_load %arg14[%swap3A_217] {strides = array<i32>} : memref<64xi32, #tpu.memory_space<vmem>>, vector<16xi32>,
        %swap3A_219 = vector.shape_cast %swap3A_218 : vector<16xi32> to vector<16xi32>
        %swap3A_220 = vector.shape_cast %get3A_216 : vector<16xi32> to vector<16xi32>
        tpu.vector_store %arg14[%swap3A_217], %swap3A_220 {strides = array<i32>} : memref<64xi32, #tpu.memory_space<vmem>>, vector<16xi32>,
        %get3A_221 = arith.index_cast %add3A_137 : i32 to index
        %get3A_222 = arith.constant 48 : index
        %get3A_223 = tpu.vector_load %arg8[%get3A_221, %get3A_222] {strides = array<i32>} : memref<80x64xi32, #tpu.memory_space<vmem>>, vector<1x16xi32>,
        %get3A_224 = vector.shape_cast %get3A_223 : vector<1x16xi32> to vector<16xi32>
        %swap3A_225 = arith.constant 48 : index
        %swap3A_226 = tpu.vector_load %arg10[%swap3A_225] {strides = array<i32>} : memref<64xi32, #tpu.memory_space<vmem>>, vector<16xi32>,
        %swap3A_227 = vector.shape_cast %swap3A_226 : vector<16xi32> to vector<16xi32>
        %swap3A_228 = vector.shape_cast %get3A_224 : vector<16xi32> to vector<16xi32>
        tpu.vector_store %arg10[%swap3A_225], %swap3A_228 {strides = array<i32>} : memref<64xi32, #tpu.memory_space<vmem>>, vector<16xi32>,
        %get3A_229 = arith.index_cast %add3A_137 : i32 to index
        %get3A_230 = arith.constant 48 : index
        %get3A_231 = tpu.vector_load %arg9[%get3A_229, %get3A_230] {strides = array<i32>} : memref<80x64xi32, #tpu.memory_space<vmem>>, vector<1x16xi32>,
        %get3A_232 = vector.shape_cast %get3A_231 : vector<1x16xi32> to vector<16xi32>
        %swap3A_233 = arith.constant 48 : index
        %swap3A_234 = tpu.vector_load %arg14[%swap3A_233] {strides = array<i32>} : memref<64xi32, #tpu.memory_space<vmem>>, vector<16xi32>,
        %swap3A_235 = vector.shape_cast %swap3A_234 : vector<16xi32> to vector<16xi32>
        %swap3A_236 = vector.shape_cast %get3A_232 : vector<16xi32> to vector<16xi32>
        tpu.vector_store %arg14[%swap3A_233], %swap3A_236 {strides = array<i32>} : memref<64xi32, #tpu.memory_space<vmem>>, vector<16xi32>,
        %dma_start3A_237 = arith.constant 0 : i32
        %dma_start3A_238 = arith.constant 0 : i32
        %dma_start3A_239 = tpu.memref_slice %arg2[%dma_start3A_237, %dma_start3A_238] : memref<10000x128xi32, #tpu.memory_space<hbm>> -> memref<10000x128xi32, #tpu.memory_space<hbm>>
        tpu.enqueue_indirect_dma source(%dma_start3A_239 : memref<10000x128xi32, #tpu.memory_space<hbm>>) target(%arg18 : memref<64x128xi32, #tpu.memory_space<vmem>>) offsets(%arg10 : memref<64xi32, #tpu.memory_space<vmem>>) semaphore(%arg26 : memref<!tpu.dma_semaphore, #tpu.memory_space<semaphore_mem>>)
        %dma_start3A_240 = arith.constant 0 : i32
        %dma_start3A_241 = arith.constant 0 : i32
        %dma_start3A_242 = tpu.memref_slice %arg3[%dma_start3A_240, %dma_start3A_241] : memref<10000x128xi32, #tpu.memory_space<hbm>> -> memref<10000x128xi32, #tpu.memory_space<hbm>>
        tpu.enqueue_indirect_dma source(%dma_start3A_242 : memref<10000x128xi32, #tpu.memory_space<hbm>>) target(%arg22 : memref<64x128xi32, #tpu.memory_space<vmem>>) offsets(%arg14 : memref<64xi32, #tpu.memory_space<vmem>>) semaphore(%arg30 : memref<!tpu.dma_semaphore, #tpu.memory_space<semaphore_mem>>)
      } else {
      }
      %mul3A_142 = arith.constant 4 : i32
      %mul3A_143 = arith.muli %while3A_63, %mul3A_142 : i32
      %add3A_144 = arith.constant 3 : i32
      %add3A_145 = arith.addi %mul3A_143, %add3A_144 : i32
      %dma_wait3A_146 = arith.constant 0 : i32
      %dma_wait3A_147 = arith.constant 0 : i32
      %dma_wait3A_148 = tpu.memref_slice %arg2[%dma_wait3A_146, %dma_wait3A_147] : memref<10000x128xi32, #tpu.memory_space<hbm>> -> memref<10000x128xi32, #tpu.memory_space<hbm>>
      tpu.wait_indirect_dma semaphore(%arg29 : memref<!tpu.dma_semaphore, #tpu.memory_space<semaphore_mem>>) src(%dma_wait3A_148 : memref<10000x128xi32, #tpu.memory_space<hbm>>) dst(%arg21 : memref<64x128xi32, #tpu.memory_space<vmem>>)
      %dma_wait3A_149 = arith.constant 0 : i32
      %dma_wait3A_150 = arith.constant 0 : i32
      %dma_wait3A_151 = tpu.memref_slice %arg3[%dma_wait3A_149, %dma_wait3A_150] : memref<10000x128xi32, #tpu.memory_space<hbm>> -> memref<10000x128xi32, #tpu.memory_space<hbm>>
      tpu.wait_indirect_dma semaphore(%arg33 : memref<!tpu.dma_semaphore, #tpu.memory_space<semaphore_mem>>) src(%dma_wait3A_151 : memref<10000x128xi32, #tpu.memory_space<hbm>>) dst(%arg25 : memref<64x128xi32, #tpu.memory_space<vmem>>)
      %add3A_152 = arith.addi %select_n3A_8, %add3A_145 : i32
      %mul3A_153 = arith.constant 64 : i32
      %mul3A_154 = arith.muli %add3A_152, %mul3A_153 : i32
      %dma_start3A_155 = arith.constant 0 : i32
      %dma_start3A_156 = tpu.memref_slice %arg6[%mul3A_154, %dma_start3A_155] : memref<163840x128xi32, #tpu.memory_space<hbm>> -> memref<64x128xi32, #tpu.memory_space<hbm>>
      %dma_start3A_157 = arith.constant 0 : i32
      %dma_start3A_158 = tpu.memref_slice %arg6[%mul3A_154, %dma_start3A_157] : memref<163840x128xi32, #tpu.memory_space<hbm>> -> memref<64x128xi32, #tpu.memory_space<hbm>>
      tpu.enqueue_dma source(%arg21 : memref<64x128xi32, #tpu.memory_space<vmem>>) target(%dma_start3A_158 : memref<64x128xi32, #tpu.memory_space<hbm>>) target_semaphore(%arg37 : memref<!tpu.dma_semaphore, #tpu.memory_space<semaphore_mem>>)
      %dma_start3A_159 = arith.constant 0 : i32
      %dma_start3A_160 = tpu.memref_slice %arg7[%mul3A_154, %dma_start3A_159] : memref<163840x128xi32, #tpu.memory_space<hbm>> -> memref<64x128xi32, #tpu.memory_space<hbm>>
      %dma_start3A_161 = arith.constant 0 : i32
      %dma_start3A_162 = tpu.memref_slice %arg7[%mul3A_154, %dma_start3A_161] : memref<163840x128xi32, #tpu.memory_space<hbm>> -> memref<64x128xi32, #tpu.memory_space<hbm>>
      tpu.enqueue_dma source(%arg25 : memref<64x128xi32, #tpu.memory_space<vmem>>) target(%dma_start3A_162 : memref<64x128xi32, #tpu.memory_space<hbm>>) target_semaphore(%arg41 : memref<!tpu.dma_semaphore, #tpu.memory_space<semaphore_mem>>)
      %add3A_163 = arith.constant 2 : i32
      %add3A_164 = arith.addi %add3A_145, %add3A_163 : i32
      %lt3A_165 = arith.cmpi slt, %add3A_164, %select_n3A : i32
      %convert_element_type3A_166 = arith.extui %lt3A_165 : i1 to i32
      %cond3A_167 = arith.constant 0 : i32
      %cond3A_168 = arith.cmpi ne, %convert_element_type3A_166, %cond3A_167 : i32
      scf.if %cond3A_168 {
        %sub3A_169 = arith.constant 4 : i32
        %sub3A_170 = arith.subi %add3A_164, %sub3A_169 : i32
        %ge3A = arith.constant 0 : i32
        %ge3A_171 = arith.cmpi sge, %sub3A_170, %ge3A : i32
        %convert_element_type3A_172 = arith.extui %ge3A_171 : i1 to i32
        %cond3A_173 = arith.constant 0 : i32
        %cond3A_174 = arith.cmpi ne, %convert_element_type3A_172, %cond3A_173 : i32
        scf.if %cond3A_174 {
          %dma_wait3A_243 = arith.constant 0 : i32
          %dma_wait3A_244 = arith.constant 0 : i32
          %dma_wait3A_245 = tpu.memref_slice %arg6[%dma_wait3A_243, %dma_wait3A_244] : memref<163840x128xi32, #tpu.memory_space<hbm>> -> memref<64x128xi32, #tpu.memory_space<hbm>>
          %dma_wait3A_246 = arith.constant 0 : i32
          %dma_wait3A_247 = arith.constant 0 : i32
          %dma_wait3A_248 = tpu.memref_slice %arg6[%dma_wait3A_246, %dma_wait3A_247] : memref<163840x128xi32, #tpu.memory_space<hbm>> -> memref<64x128xi32, #tpu.memory_space<hbm>>
          tpu.wait_dma2 semaphore(%arg35 : memref<!tpu.dma_semaphore, #tpu.memory_space<semaphore_mem>>) src(%arg19 : memref<64x128xi32, #tpu.memory_space<vmem>>) dst(%dma_wait3A_248 : memref<64x128xi32, #tpu.memory_space<hbm>>)
          %dma_wait3A_249 = arith.constant 0 : i32
          %dma_wait3A_250 = arith.constant 0 : i32
          %dma_wait3A_251 = tpu.memref_slice %arg7[%dma_wait3A_249, %dma_wait3A_250] : memref<163840x128xi32, #tpu.memory_space<hbm>> -> memref<64x128xi32, #tpu.memory_space<hbm>>
          %dma_wait3A_252 = arith.constant 0 : i32
          %dma_wait3A_253 = arith.constant 0 : i32
          %dma_wait3A_254 = tpu.memref_slice %arg7[%dma_wait3A_252, %dma_wait3A_253] : memref<163840x128xi32, #tpu.memory_space<hbm>> -> memref<64x128xi32, #tpu.memory_space<hbm>>
          tpu.wait_dma2 semaphore(%arg39 : memref<!tpu.dma_semaphore, #tpu.memory_space<semaphore_mem>>) src(%arg23 : memref<64x128xi32, #tpu.memory_space<vmem>>) dst(%dma_wait3A_254 : memref<64x128xi32, #tpu.memory_space<hbm>>)
        } else {
        }
        %get3A = arith.index_cast %add3A_164 : i32 to index
        %get3A_175 = arith.constant 0 : index
        %get3A_176 = tpu.vector_load %arg8[%get3A, %get3A_175] {strides = array<i32>} : memref<80x64xi32, #tpu.memory_space<vmem>>, vector<1x16xi32>,
        %get3A_177 = vector.shape_cast %get3A_176 : vector<1x16xi32> to vector<16xi32>
        %swap3A = arith.constant 0 : index
        %swap3A_178 = tpu.vector_load %arg11[%swap3A] {strides = array<i32>} : memref<64xi32, #tpu.memory_space<vmem>>, vector<16xi32>,
        %swap3A_179 = vector.shape_cast %swap3A_178 : vector<16xi32> to vector<16xi32>
        %swap3A_180 = vector.shape_cast %get3A_177 : vector<16xi32> to vector<16xi32>
        tpu.vector_store %arg11[%swap3A], %swap3A_180 {strides = array<i32>} : memref<64xi32, #tpu.memory_space<vmem>>, vector<16xi32>,
        %get3A_181 = arith.index_cast %add3A_164 : i32 to index
        %get3A_182 = arith.constant 0 : index
        %get3A_183 = tpu.vector_load %arg9[%get3A_181, %get3A_182] {strides = array<i32>} : memref<80x64xi32, #tpu.memory_space<vmem>>, vector<1x16xi32>,
        %get3A_184 = vector.shape_cast %get3A_183 : vector<1x16xi32> to vector<16xi32>
        %swap3A_185 = arith.constant 0 : index
        %swap3A_186 = tpu.vector_load %arg15[%swap3A_185] {strides = array<i32>} : memref<64xi32, #tpu.memory_space<vmem>>, vector<16xi32>,
        %swap3A_187 = vector.shape_cast %swap3A_186 : vector<16xi32> to vector<16xi32>
        %swap3A_188 = vector.shape_cast %get3A_184 : vector<16xi32> to vector<16xi32>
        tpu.vector_store %arg15[%swap3A_185], %swap3A_188 {strides = array<i32>} : memref<64xi32, #tpu.memory_space<vmem>>, vector<16xi32>,
        %get3A_189 = arith.index_cast %add3A_164 : i32 to index
        %get3A_190 = arith.constant 16 : index
        %get3A_191 = tpu.vector_load %arg8[%get3A_189, %get3A_190] {strides = array<i32>} : memref<80x64xi32, #tpu.memory_space<vmem>>, vector<1x16xi32>,
        %get3A_192 = vector.shape_cast %get3A_191 : vector<1x16xi32> to vector<16xi32>
        %swap3A_193 = arith.constant 16 : index
        %swap3A_194 = tpu.vector_load %arg11[%swap3A_193] {strides = array<i32>} : memref<64xi32, #tpu.memory_space<vmem>>, vector<16xi32>,
        %swap3A_195 = vector.shape_cast %swap3A_194 : vector<16xi32> to vector<16xi32>
        %swap3A_196 = vector.shape_cast %get3A_192 : vector<16xi32> to vector<16xi32>
        tpu.vector_store %arg11[%swap3A_193], %swap3A_196 {strides = array<i32>} : memref<64xi32, #tpu.memory_space<vmem>>, vector<16xi32>,
        %get3A_197 = arith.index_cast %add3A_164 : i32 to index
        %get3A_198 = arith.constant 16 : index
        %get3A_199 = tpu.vector_load %arg9[%get3A_197, %get3A_198] {strides = array<i32>} : memref<80x64xi32, #tpu.memory_space<vmem>>, vector<1x16xi32>,
        %get3A_200 = vector.shape_cast %get3A_199 : vector<1x16xi32> to vector<16xi32>
        %swap3A_201 = arith.constant 16 : index
        %swap3A_202 = tpu.vector_load %arg15[%swap3A_201] {strides = array<i32>} : memref<64xi32, #tpu.memory_space<vmem>>, vector<16xi32>,
        %swap3A_203 = vector.shape_cast %swap3A_202 : vector<16xi32> to vector<16xi32>
        %swap3A_204 = vector.shape_cast %get3A_200 : vector<16xi32> to vector<16xi32>
        tpu.vector_store %arg15[%swap3A_201], %swap3A_204 {strides = array<i32>} : memref<64xi32, #tpu.memory_space<vmem>>, vector<16xi32>,
        %get3A_205 = arith.index_cast %add3A_164 : i32 to index
        %get3A_206 = arith.constant 32 : index
        %get3A_207 = tpu.vector_load %arg8[%get3A_205, %get3A_206] {strides = array<i32>} : memref<80x64xi32, #tpu.memory_space<vmem>>, vector<1x16xi32>,
        %get3A_208 = vector.shape_cast %get3A_207 : vector<1x16xi32> to vector<16xi32>
        %swap3A_209 = arith.constant 32 : index
        %swap3A_210 = tpu.vector_load %arg11[%swap3A_209] {strides = array<i32>} : memref<64xi32, #tpu.memory_space<vmem>>, vector<16xi32>,
        %swap3A_211 = vector.shape_cast %swap3A_210 : vector<16xi32> to vector<16xi32>
        %swap3A_212 = vector.shape_cast %get3A_208 : vector<16xi32> to vector<16xi32>
        tpu.vector_store %arg11[%swap3A_209], %swap3A_212 {strides = array<i32>} : memref<64xi32, #tpu.memory_space<vmem>>, vector<16xi32>,
        %get3A_213 = arith.index_cast %add3A_164 : i32 to index
        %get3A_214 = arith.constant 32 : index
        %get3A_215 = tpu.vector_load %arg9[%get3A_213, %get3A_214] {strides = array<i32>} : memref<80x64xi32, #tpu.memory_space<vmem>>, vector<1x16xi32>,
        %get3A_216 = vector.shape_cast %get3A_215 : vector<1x16xi32> to vector<16xi32>
        %swap3A_217 = arith.constant 32 : index
        %swap3A_218 = tpu.vector_load %arg15[%swap3A_217] {strides = array<i32>} : memref<64xi32, #tpu.memory_space<vmem>>, vector<16xi32>,
        %swap3A_219 = vector.shape_cast %swap3A_218 : vector<16xi32> to vector<16xi32>
        %swap3A_220 = vector.shape_cast %get3A_216 : vector<16xi32> to vector<16xi32>
        tpu.vector_store %arg15[%swap3A_217], %swap3A_220 {strides = array<i32>} : memref<64xi32, #tpu.memory_space<vmem>>, vector<16xi32>,
        %get3A_221 = arith.index_cast %add3A_164 : i32 to index
        %get3A_222 = arith.constant 48 : index
        %get3A_223 = tpu.vector_load %arg8[%get3A_221, %get3A_222] {strides = array<i32>} : memref<80x64xi32, #tpu.memory_space<vmem>>, vector<1x16xi32>,
        %get3A_224 = vector.shape_cast %get3A_223 : vector<1x16xi32> to vector<16xi32>
        %swap3A_225 = arith.constant 48 : index
        %swap3A_226 = tpu.vector_load %arg11[%swap3A_225] {strides = array<i32>} : memref<64xi32, #tpu.memory_space<vmem>>, vector<16xi32>,
        %swap3A_227 = vector.shape_cast %swap3A_226 : vector<16xi32> to vector<16xi32>
        %swap3A_228 = vector.shape_cast %get3A_224 : vector<16xi32> to vector<16xi32>
        tpu.vector_store %arg11[%swap3A_225], %swap3A_228 {strides = array<i32>} : memref<64xi32, #tpu.memory_space<vmem>>, vector<16xi32>,
        %get3A_229 = arith.index_cast %add3A_164 : i32 to index
        %get3A_230 = arith.constant 48 : index
        %get3A_231 = tpu.vector_load %arg9[%get3A_229, %get3A_230] {strides = array<i32>} : memref<80x64xi32, #tpu.memory_space<vmem>>, vector<1x16xi32>,
        %get3A_232 = vector.shape_cast %get3A_231 : vector<1x16xi32> to vector<16xi32>
        %swap3A_233 = arith.constant 48 : index
        %swap3A_234 = tpu.vector_load %arg15[%swap3A_233] {strides = array<i32>} : memref<64xi32, #tpu.memory_space<vmem>>, vector<16xi32>,
        %swap3A_235 = vector.shape_cast %swap3A_234 : vector<16xi32> to vector<16xi32>
        %swap3A_236 = vector.shape_cast %get3A_232 : vector<16xi32> to vector<16xi32>
        tpu.vector_store %arg15[%swap3A_233], %swap3A_236 {strides = array<i32>} : memref<64xi32, #tpu.memory_space<vmem>>, vector<16xi32>,
        %dma_start3A_237 = arith.constant 0 : i32
        %dma_start3A_238 = arith.constant 0 : i32
        %dma_start3A_239 = tpu.memref_slice %arg2[%dma_start3A_237, %dma_start3A_238] : memref<10000x128xi32, #tpu.memory_space<hbm>> -> memref<10000x128xi32, #tpu.memory_space<hbm>>
        tpu.enqueue_indirect_dma source(%dma_start3A_239 : memref<10000x128xi32, #tpu.memory_space<hbm>>) target(%arg19 : memref<64x128xi32, #tpu.memory_space<vmem>>) offsets(%arg11 : memref<64xi32, #tpu.memory_space<vmem>>) semaphore(%arg27 : memref<!tpu.dma_semaphore, #tpu.memory_space<semaphore_mem>>)
        %dma_start3A_240 = arith.constant 0 : i32
        %dma_start3A_241 = arith.constant 0 : i32
        %dma_start3A_242 = tpu.memref_slice %arg3[%dma_start3A_240, %dma_start3A_241] : memref<10000x128xi32, #tpu.memory_space<hbm>> -> memref<10000x128xi32, #tpu.memory_space<hbm>>
        tpu.enqueue_indirect_dma source(%dma_start3A_242 : memref<10000x128xi32, #tpu.memory_space<hbm>>) target(%arg23 : memref<64x128xi32, #tpu.memory_space<vmem>>) offsets(%arg15 : memref<64xi32, #tpu.memory_space<vmem>>) semaphore(%arg31 : memref<!tpu.dma_semaphore, #tpu.memory_space<semaphore_mem>>)
      } else {
      }
    }
    %gt3A_43 = arith.constant 0 : i32
    %gt3A_44 = arith.cmpi sgt, %select_n3A, %gt3A_43 : i32
    %convert_element_type3A_45 = arith.extui %gt3A_44 : i1 to i32
    %cond3A_46 = arith.constant 0 : i32
    %cond3A_47 = arith.cmpi ne, %convert_element_type3A_45, %cond3A_46 : i32
    scf.if %cond3A_47 {
      %dma_wait3A = arith.constant 0 : i32
      %dma_wait3A_63 = arith.constant 0 : i32
      %dma_wait3A_64 = tpu.memref_slice %arg6[%dma_wait3A, %dma_wait3A_63] : memref<163840x128xi32, #tpu.memory_space<hbm>> -> memref<64x128xi32, #tpu.memory_space<hbm>>
      %dma_wait3A_65 = arith.constant 0 : i32
      %dma_wait3A_66 = arith.constant 0 : i32
      %dma_wait3A_67 = tpu.memref_slice %arg6[%dma_wait3A_65, %dma_wait3A_66] : memref<163840x128xi32, #tpu.memory_space<hbm>> -> memref<64x128xi32, #tpu.memory_space<hbm>>
      tpu.wait_dma2 semaphore(%arg34 : memref<!tpu.dma_semaphore, #tpu.memory_space<semaphore_mem>>) src(%arg18 : memref<64x128xi32, #tpu.memory_space<vmem>>) dst(%dma_wait3A_67 : memref<64x128xi32, #tpu.memory_space<hbm>>)
      %dma_wait3A_68 = arith.constant 0 : i32
      %dma_wait3A_69 = arith.constant 0 : i32
      %dma_wait3A_70 = tpu.memref_slice %arg7[%dma_wait3A_68, %dma_wait3A_69] : memref<163840x128xi32, #tpu.memory_space<hbm>> -> memref<64x128xi32, #tpu.memory_space<hbm>>
      %dma_wait3A_71 = arith.constant 0 : i32
      %dma_wait3A_72 = arith.constant 0 : i32
      %dma_wait3A_73 = tpu.memref_slice %arg7[%dma_wait3A_71, %dma_wait3A_72] : memref<163840x128xi32, #tpu.memory_space<hbm>> -> memref<64x128xi32, #tpu.memory_space<hbm>>
      tpu.wait_dma2 semaphore(%arg38 : memref<!tpu.dma_semaphore, #tpu.memory_space<semaphore_mem>>) src(%arg22 : memref<64x128xi32, #tpu.memory_space<vmem>>) dst(%dma_wait3A_73 : memref<64x128xi32, #tpu.memory_space<hbm>>)
    } else {
    }
    %gt3A_48 = arith.constant 0 : i32
    %gt3A_49 = arith.cmpi sgt, %select_n3A, %gt3A_48 : i32
    %convert_element_type3A_50 = arith.extui %gt3A_49 : i1 to i32
    %cond3A_51 = arith.constant 0 : i32
    %cond3A_52 = arith.cmpi ne, %convert_element_type3A_50, %cond3A_51 : i32
    scf.if %cond3A_52 {
      %dma_wait3A = arith.constant 0 : i32
      %dma_wait3A_63 = arith.constant 0 : i32
      %dma_wait3A_64 = tpu.memref_slice %arg6[%dma_wait3A, %dma_wait3A_63] : memref<163840x128xi32, #tpu.memory_space<hbm>> -> memref<64x128xi32, #tpu.memory_space<hbm>>
      %dma_wait3A_65 = arith.constant 0 : i32
      %dma_wait3A_66 = arith.constant 0 : i32
      %dma_wait3A_67 = tpu.memref_slice %arg6[%dma_wait3A_65, %dma_wait3A_66] : memref<163840x128xi32, #tpu.memory_space<hbm>> -> memref<64x128xi32, #tpu.memory_space<hbm>>
      tpu.wait_dma2 semaphore(%arg35 : memref<!tpu.dma_semaphore, #tpu.memory_space<semaphore_mem>>) src(%arg19 : memref<64x128xi32, #tpu.memory_space<vmem>>) dst(%dma_wait3A_67 : memref<64x128xi32, #tpu.memory_space<hbm>>)
      %dma_wait3A_68 = arith.constant 0 : i32
      %dma_wait3A_69 = arith.constant 0 : i32
      %dma_wait3A_70 = tpu.memref_slice %arg7[%dma_wait3A_68, %dma_wait3A_69] : memref<163840x128xi32, #tpu.memory_space<hbm>> -> memref<64x128xi32, #tpu.memory_space<hbm>>
      %dma_wait3A_71 = arith.constant 0 : i32
      %dma_wait3A_72 = arith.constant 0 : i32
      %dma_wait3A_73 = tpu.memref_slice %arg7[%dma_wait3A_71, %dma_wait3A_72] : memref<163840x128xi32, #tpu.memory_space<hbm>> -> memref<64x128xi32, #tpu.memory_space<hbm>>
      tpu.wait_dma2 semaphore(%arg39 : memref<!tpu.dma_semaphore, #tpu.memory_space<semaphore_mem>>) src(%arg23 : memref<64x128xi32, #tpu.memory_space<vmem>>) dst(%dma_wait3A_73 : memref<64x128xi32, #tpu.memory_space<hbm>>)
    } else {
    }
    %gt3A_53 = arith.constant 0 : i32
    %gt3A_54 = arith.cmpi sgt, %select_n3A, %gt3A_53 : i32
    %convert_element_type3A_55 = arith.extui %gt3A_54 : i1 to i32
    %cond3A_56 = arith.constant 0 : i32
    %cond3A_57 = arith.cmpi ne, %convert_element_type3A_55, %cond3A_56 : i32
    scf.if %cond3A_57 {
      %dma_wait3A = arith.constant 0 : i32
      %dma_wait3A_63 = arith.constant 0 : i32
      %dma_wait3A_64 = tpu.memref_slice %arg6[%dma_wait3A, %dma_wait3A_63] : memref<163840x128xi32, #tpu.memory_space<hbm>> -> memref<64x128xi32, #tpu.memory_space<hbm>>
      %dma_wait3A_65 = arith.constant 0 : i32
      %dma_wait3A_66 = arith.constant 0 : i32
      %dma_wait3A_67 = tpu.memref_slice %arg6[%dma_wait3A_65, %dma_wait3A_66] : memref<163840x128xi32, #tpu.memory_space<hbm>> -> memref<64x128xi32, #tpu.memory_space<hbm>>
      tpu.wait_dma2 semaphore(%arg36 : memref<!tpu.dma_semaphore, #tpu.memory_space<semaphore_mem>>) src(%arg20 : memref<64x128xi32, #tpu.memory_space<vmem>>) dst(%dma_wait3A_67 : memref<64x128xi32, #tpu.memory_space<hbm>>)
      %dma_wait3A_68 = arith.constant 0 : i32
      %dma_wait3A_69 = arith.constant 0 : i32
      %dma_wait3A_70 = tpu.memref_slice %arg7[%dma_wait3A_68, %dma_wait3A_69] : memref<163840x128xi32, #tpu.memory_space<hbm>> -> memref<64x128xi32, #tpu.memory_space<hbm>>
      %dma_wait3A_71 = arith.constant 0 : i32
      %dma_wait3A_72 = arith.constant 0 : i32
      %dma_wait3A_73 = tpu.memref_slice %arg7[%dma_wait3A_71, %dma_wait3A_72] : memref<163840x128xi32, #tpu.memory_space<hbm>> -> memref<64x128xi32, #tpu.memory_space<hbm>>
      tpu.wait_dma2 semaphore(%arg40 : memref<!tpu.dma_semaphore, #tpu.memory_space<semaphore_mem>>) src(%arg24 : memref<64x128xi32, #tpu.memory_space<vmem>>) dst(%dma_wait3A_73 : memref<64x128xi32, #tpu.memory_space<hbm>>)
    } else {
    }
    %gt3A_58 = arith.constant 0 : i32
    %gt3A_59 = arith.cmpi sgt, %select_n3A, %gt3A_58 : i32
    %convert_element_type3A_60 = arith.extui %gt3A_59 : i1 to i32
    %cond3A_61 = arith.constant 0 : i32
    %cond3A_62 = arith.cmpi ne, %convert_element_type3A_60, %cond3A_61 : i32
    scf.if %cond3A_62 {
      %dma_wait3A = arith.constant 0 : i32
      %dma_wait3A_63 = arith.constant 0 : i32
      %dma_wait3A_64 = tpu.memref_slice %arg6[%dma_wait3A, %dma_wait3A_63] : memref<163840x128xi32, #tpu.memory_space<hbm>> -> memref<64x128xi32, #tpu.memory_space<hbm>>
      %dma_wait3A_65 = arith.constant 0 : i32
      %dma_wait3A_66 = arith.constant 0 : i32
      %dma_wait3A_67 = tpu.memref_slice %arg6[%dma_wait3A_65, %dma_wait3A_66] : memref<163840x128xi32, #tpu.memory_space<hbm>> -> memref<64x128xi32, #tpu.memory_space<hbm>>
      tpu.wait_dma2 semaphore(%arg37 : memref<!tpu.dma_semaphore, #tpu.memory_space<semaphore_mem>>) src(%arg21 : memref<64x128xi32, #tpu.memory_space<vmem>>) dst(%dma_wait3A_67 : memref<64x128xi32, #tpu.memory_space<hbm>>)
      %dma_wait3A_68 = arith.constant 0 : i32
      %dma_wait3A_69 = arith.constant 0 : i32
      %dma_wait3A_70 = tpu.memref_slice %arg7[%dma_wait3A_68, %dma_wait3A_69] : memref<163840x128xi32, #tpu.memory_space<hbm>> -> memref<64x128xi32, #tpu.memory_space<hbm>>
      %dma_wait3A_71 = arith.constant 0 : i32
      %dma_wait3A_72 = arith.constant 0 : i32
      %dma_wait3A_73 = tpu.memref_slice %arg7[%dma_wait3A_71, %dma_wait3A_72] : memref<163840x128xi32, #tpu.memory_space<hbm>> -> memref<64x128xi32, #tpu.memory_space<hbm>>
      tpu.wait_dma2 semaphore(%arg41 : memref<!tpu.dma_semaphore, #tpu.memory_space<semaphore_mem>>) src(%arg25 : memref<64x128xi32, #tpu.memory_space<vmem>>) dst(%dma_wait3A_73 : memref<64x128xi32, #tpu.memory_space<hbm>>)
    } else {
    }
    return
  }
}

module attributes {stable_mosaic.version = 14 : i64} {
  func.func @_tables_body(%arg0: i32, %arg1: memref<1000x256xf32, #tpu.memory_space<vmem>>, %arg2: memref<256x256xf32, #tpu.memory_space<vmem>>, %arg3: memref<256x256xf32, #tpu.memory_space<vmem>>, %arg4: memref<1x256xf32, #tpu.memory_space<vmem>>, %arg5: memref<1000x128xi32, #tpu.memory_space<vmem>>, %arg6: memref<1000x128xi32, #tpu.memory_space<vmem>>) attributes {dimension_semantics = [#tpu.dimension_semantics<arbitrary>], iteration_bounds = array<i64: 10>, scalar_prefetch = 0 : i64, scratch_operands = 0 : i64, tpu.core_type = #tpu.core_type<tc>, window_params = [{transform_indices = @transform_0, window_bounds = array<i64: 1000, 256>}, {pipeline_mode = #tpu.pipeline_mode<synchronous>, transform_indices = @transform_1, window_bounds = array<i64: 256, 256>}, {pipeline_mode = #tpu.pipeline_mode<synchronous>, transform_indices = @transform_2, window_bounds = array<i64: 256, 256>}, {pipeline_mode = #tpu.pipeline_mode<synchronous>, transform_indices = @transform_3, window_bounds = array<i64: 1, 256>}, {transform_indices = @transform_4, window_bounds = array<i64: 1000, 128>}, {transform_indices = @transform_5, window_bounds = array<i64: 1000, 128>}]} {
    %get3A = arith.constant 0 : index
    %get3A_0 = arith.constant 0 : index
    %get3A_1 = vector.load %arg1[%get3A, %get3A_0] : memref<1000x256xf32, #tpu.memory_space<vmem>>, vector<1000x256xf32>
    %get3A_2 = arith.constant 0 : index
    %get3A_3 = arith.constant 0 : index
    %get3A_4 = vector.load %arg2[%get3A_2, %get3A_3] : memref<256x256xf32, #tpu.memory_space<vmem>>, vector<256x256xf32>
    %dot_general3A = arith.constant dense<0.000000e+00> : vector<1000x256xf32>
    %dot_general3A_5 = tpu.matmul %get3A_1, %get3A_4, %dot_general3A {dimension_numbers = #tpu.dot_dimension_numbers<[1], [0], [0], [1], [0, 0, 1, 1], [], []>, transpose_lhs_hint = false} : vector<1000x256xf32>, vector<256x256xf32>, vector<1000x256xf32> -> vector<1000x256xf32>
    %get3A_6 = arith.constant 0 : index
    %get3A_7 = arith.constant 0 : index
    %get3A_8 = vector.load %arg4[%get3A_6, %get3A_7] : memref<1x256xf32, #tpu.memory_space<vmem>>, vector<1x256xf32>
    %add3A = vector.broadcast %get3A_8 : vector<1x256xf32> to vector<1000x256xf32>
    %add3A_9 = arith.addf %dot_general3A_5, %add3A : vector<1000x256xf32>
    %get3A_10 = arith.constant 0 : index
    %get3A_11 = arith.constant 0 : index
    %get3A_12 = vector.load %arg3[%get3A_10, %get3A_11] : memref<256x256xf32, #tpu.memory_space<vmem>>, vector<256x256xf32>
    %dot_general3A_13 = arith.constant dense<0.000000e+00> : vector<1000x256xf32>
    %dot_general3A_14 = tpu.matmul %get3A_1, %get3A_12, %dot_general3A_13 {dimension_numbers = #tpu.dot_dimension_numbers<[1], [0], [0], [1], [0, 0, 1, 1], [], []>, transpose_lhs_hint = false} : vector<1000x256xf32>, vector<256x256xf32>, vector<1000x256xf32> -> vector<1000x256xf32>
    %slice3A = vector.extract_strided_slice %add3A_9 {offsets = [0, 0], sizes = [1000, 128], strides = [1, 1]} : vector<1000x256xf32> to vector<1000x128xf32>
    %convert_element_type3A = arith.truncf %slice3A : vector<1000x128xf32> to vector<1000x128xbf16>
    %convert_element_type3A_15 = arith.extf %convert_element_type3A : vector<1000x128xbf16> to vector<1000x128xf32>
    %bitcast_convert_type3A = tpu.bitcast %convert_element_type3A_15 : vector<1000x128xf32> -> vector<1000x128xi32>
    %shift_right_logical3A = arith.constant 16 : i32
    %shift_right_logical3A_16 = vector.broadcast %shift_right_logical3A : i32 to vector<1000x128xi32>
    %shift_right_logical3A_17 = arith.shrui %bitcast_convert_type3A, %shift_right_logical3A_16 : vector<1000x128xi32>
    %slice3A_18 = vector.extract_strided_slice %add3A_9 {offsets = [0, 128], sizes = [1000, 128], strides = [1, 1]} : vector<1000x256xf32> to vector<1000x128xf32>
    %convert_element_type3A_19 = arith.truncf %slice3A_18 : vector<1000x128xf32> to vector<1000x128xbf16>
    %convert_element_type3A_20 = arith.extf %convert_element_type3A_19 : vector<1000x128xbf16> to vector<1000x128xf32>
    %bitcast_convert_type3A_21 = tpu.bitcast %convert_element_type3A_20 : vector<1000x128xf32> -> vector<1000x128xi32>
    %shift_right_logical3A_22 = arith.constant 16 : i32
    %shift_right_logical3A_23 = vector.broadcast %shift_right_logical3A_22 : i32 to vector<1000x128xi32>
    %shift_right_logical3A_24 = arith.shrui %bitcast_convert_type3A_21, %shift_right_logical3A_23 : vector<1000x128xi32>
    %shift_left3A = arith.constant 16 : i32
    %shift_left3A_25 = vector.broadcast %shift_left3A : i32 to vector<1000x128xi32>
    %shift_left3A_26 = arith.shli %shift_right_logical3A_24, %shift_left3A_25 : vector<1000x128xi32>
    %or3A = arith.ori %shift_right_logical3A_17, %shift_left3A_26 : vector<1000x128xi32>
    %bitcast_convert_type3A_27 = tpu.bitcast %or3A : vector<1000x128xi32> -> vector<1000x128xi32>
    %swap3A = arith.constant 0 : index
    %swap3A_28 = arith.constant 0 : index
    %swap3A_29 = vector.load %arg5[%swap3A, %swap3A_28] : memref<1000x128xi32, #tpu.memory_space<vmem>>, vector<1000x128xi32>
    tpu.vector_store %arg5[%swap3A, %swap3A_28], %bitcast_convert_type3A_27 {strides = array<i32>} : memref<1000x128xi32, #tpu.memory_space<vmem>>, vector<1000x128xi32>,
    %slice3A_30 = vector.extract_strided_slice %dot_general3A_14 {offsets = [0, 0], sizes = [1000, 128], strides = [1, 1]} : vector<1000x256xf32> to vector<1000x128xf32>
    %convert_element_type3A_31 = arith.truncf %slice3A_30 : vector<1000x128xf32> to vector<1000x128xbf16>
    %convert_element_type3A_32 = arith.extf %convert_element_type3A_31 : vector<1000x128xbf16> to vector<1000x128xf32>
    %bitcast_convert_type3A_33 = tpu.bitcast %convert_element_type3A_32 : vector<1000x128xf32> -> vector<1000x128xi32>
    %shift_right_logical3A_34 = arith.constant 16 : i32
    %shift_right_logical3A_35 = vector.broadcast %shift_right_logical3A_34 : i32 to vector<1000x128xi32>
    %shift_right_logical3A_36 = arith.shrui %bitcast_convert_type3A_33, %shift_right_logical3A_35 : vector<1000x128xi32>
    %slice3A_37 = vector.extract_strided_slice %dot_general3A_14 {offsets = [0, 128], sizes = [1000, 128], strides = [1, 1]} : vector<1000x256xf32> to vector<1000x128xf32>
    %convert_element_type3A_38 = arith.truncf %slice3A_37 : vector<1000x128xf32> to vector<1000x128xbf16>
    %convert_element_type3A_39 = arith.extf %convert_element_type3A_38 : vector<1000x128xbf16> to vector<1000x128xf32>
    %bitcast_convert_type3A_40 = tpu.bitcast %convert_element_type3A_39 : vector<1000x128xf32> -> vector<1000x128xi32>
    %shift_right_logical3A_41 = arith.constant 16 : i32
    %shift_right_logical3A_42 = vector.broadcast %shift_right_logical3A_41 : i32 to vector<1000x128xi32>
    %shift_right_logical3A_43 = arith.shrui %bitcast_convert_type3A_40, %shift_right_logical3A_42 : vector<1000x128xi32>
    %shift_left3A_44 = arith.constant 16 : i32
    %shift_left3A_45 = vector.broadcast %shift_left3A_44 : i32 to vector<1000x128xi32>
    %shift_left3A_46 = arith.shli %shift_right_logical3A_43, %shift_left3A_45 : vector<1000x128xi32>
    %or3A_47 = arith.ori %shift_right_logical3A_36, %shift_left3A_46 : vector<1000x128xi32>
    %bitcast_convert_type3A_48 = tpu.bitcast %or3A_47 : vector<1000x128xi32> -> vector<1000x128xi32>
    %swap3A_49 = arith.constant 0 : index
    %swap3A_50 = arith.constant 0 : index
    %swap3A_51 = vector.load %arg6[%swap3A_49, %swap3A_50] : memref<1000x128xi32, #tpu.memory_space<vmem>>, vector<1000x128xi32>
    tpu.vector_store %arg6[%swap3A_49, %swap3A_50], %bitcast_convert_type3A_48 {strides = array<i32>} : memref<1000x128xi32, #tpu.memory_space<vmem>>, vector<1000x128xi32>,
    return
  }
  func.func @transform_0(%arg0: i32) -> (i32, i32) {
    %c0_i32 = arith.constant 0 : i32
    %c0_i32_0 = arith.constant 0 : i32
    return %arg0, %c0_i32 : i32, i32
  }
  func.func @transform_1(%arg0: i32) -> (i32, i32) {
    %c0_i32 = arith.constant 0 : i32
    %c0_i32_0 = arith.constant 0 : i32
    %c0_i32_1 = arith.constant 0 : i32
    return %c0_i32, %c0_i32_0 : i32, i32
  }
  func.func @transform_2(%arg0: i32) -> (i32, i32) {
    %c0_i32 = arith.constant 0 : i32
    %c0_i32_0 = arith.constant 0 : i32
    %c0_i32_1 = arith.constant 0 : i32
    return %c0_i32, %c0_i32_0 : i32, i32
  }
  func.func @transform_3(%arg0: i32) -> (i32, i32) {
    %c0_i32 = arith.constant 0 : i32
    %c0_i32_0 = arith.constant 0 : i32
    %c0_i32_1 = arith.constant 0 : i32
    return %c0_i32, %c0_i32_0 : i32, i32
  }
  func.func @transform_4(%arg0: i32) -> (i32, i32) {
    %c0_i32 = arith.constant 0 : i32
    %c0_i32_0 = arith.constant 0 : i32
    return %arg0, %c0_i32 : i32, i32
  }
  func.func @transform_5(%arg0: i32) -> (i32, i32) {
    %c0_i32 = arith.constant 0 : i32
    %c0_i32_0 = arith.constant 0 : i32
    return %arg0, %c0_i32 : i32, i32
  }
}

module attributes {stable_mosaic.version = 14 : i64} {
  func.func @_mlp_body(%arg0: i32, %arg1: memref<1600x128xi32, #tpu.memory_space<vmem>>, %arg2: memref<1600x128xi32, #tpu.memory_space<vmem>>, %arg3: memref<256x256xbf16, #tpu.memory_space<vmem>>, %arg4: memref<1x256xf32, #tpu.memory_space<vmem>>, %arg5: memref<1600x256xf32, #tpu.memory_space<vmem>>) attributes {dimension_semantics = [#tpu.dimension_semantics<arbitrary>], iteration_bounds = array<i64: 100>, scalar_prefetch = 0 : i64, scratch_operands = 0 : i64, tpu.core_type = #tpu.core_type<tc>, window_params = [{transform_indices = @transform_0, window_bounds = array<i64: 1600, 128>}, {transform_indices = @transform_1, window_bounds = array<i64: 1600, 128>}, {pipeline_mode = #tpu.pipeline_mode<synchronous>, transform_indices = @transform_2, window_bounds = array<i64: 256, 256>}, {pipeline_mode = #tpu.pipeline_mode<synchronous>, transform_indices = @transform_3, window_bounds = array<i64: 1, 256>}, {transform_indices = @transform_4, window_bounds = array<i64: 1600, 256>}]} {
    %get3A = arith.constant 0 : index
    %get3A_0 = arith.constant 0 : index
    %get3A_1 = vector.load %arg1[%get3A, %get3A_0] : memref<1600x128xi32, #tpu.memory_space<vmem>>, vector<1600x128xi32>
    %bitcast_convert_type3A = tpu.bitcast %get3A_1 : vector<1600x128xi32> -> vector<1600x128xi32>
    %shift_left3A = arith.constant 16 : i32
    %shift_left3A_2 = vector.broadcast %shift_left3A : i32 to vector<1600x128xi32>
    %shift_left3A_3 = arith.shli %bitcast_convert_type3A, %shift_left3A_2 : vector<1600x128xi32>
    %bitcast_convert_type3A_4 = tpu.bitcast %shift_left3A_3 : vector<1600x128xi32> -> vector<1600x128xf32>
    %and3A = arith.constant -65536 : i32
    %and3A_5 = vector.broadcast %and3A : i32 to vector<1600x128xi32>
    %and3A_6 = arith.andi %bitcast_convert_type3A, %and3A_5 : vector<1600x128xi32>
    %bitcast_convert_type3A_7 = tpu.bitcast %and3A_6 : vector<1600x128xi32> -> vector<1600x128xf32>
    %get3A_8 = arith.constant 0 : index
    %get3A_9 = arith.constant 0 : index
    %get3A_10 = vector.load %arg2[%get3A_8, %get3A_9] : memref<1600x128xi32, #tpu.memory_space<vmem>>, vector<1600x128xi32>
    %bitcast_convert_type3A_11 = tpu.bitcast %get3A_10 : vector<1600x128xi32> -> vector<1600x128xi32>
    %shift_left3A_12 = arith.constant 16 : i32
    %shift_left3A_13 = vector.broadcast %shift_left3A_12 : i32 to vector<1600x128xi32>
    %shift_left3A_14 = arith.shli %bitcast_convert_type3A_11, %shift_left3A_13 : vector<1600x128xi32>
    %bitcast_convert_type3A_15 = tpu.bitcast %shift_left3A_14 : vector<1600x128xi32> -> vector<1600x128xf32>
    %and3A_16 = arith.constant -65536 : i32
    %and3A_17 = vector.broadcast %and3A_16 : i32 to vector<1600x128xi32>
    %and3A_18 = arith.andi %bitcast_convert_type3A_11, %and3A_17 : vector<1600x128xi32>
    %bitcast_convert_type3A_19 = tpu.bitcast %and3A_18 : vector<1600x128xi32> -> vector<1600x128xf32>
    %add3A = arith.addf %bitcast_convert_type3A_4, %bitcast_convert_type3A_15 : vector<1600x128xf32>
    %max3A = arith.constant 0.000000e+00 : f32
    %max3A_20 = vector.broadcast %max3A : f32 to vector<1600x128xf32>
    %max3A_21 = arith.maximumf %add3A, %max3A_20 : vector<1600x128xf32>
    %convert_element_type3A = arith.truncf %max3A_21 : vector<1600x128xf32> to vector<1600x128xbf16>
    %add3A_22 = arith.addf %bitcast_convert_type3A_7, %bitcast_convert_type3A_19 : vector<1600x128xf32>
    %max3A_23 = arith.constant 0.000000e+00 : f32
    %max3A_24 = vector.broadcast %max3A_23 : f32 to vector<1600x128xf32>
    %max3A_25 = arith.maximumf %add3A_22, %max3A_24 : vector<1600x128xf32>
    %convert_element_type3A_26 = arith.truncf %max3A_25 : vector<1600x128xf32> to vector<1600x128xbf16>
    %concatenate3A = tpu.concatenate %convert_element_type3A, %convert_element_type3A_26 in 1 : vector<1600x128xbf16>, vector<1600x128xbf16> -> vector<1600x256xbf16>
    %get3A_27 = arith.constant 0 : index
    %get3A_28 = arith.constant 0 : index
    %get3A_29 = vector.load %arg3[%get3A_27, %get3A_28] : memref<256x256xbf16, #tpu.memory_space<vmem>>, vector<256x256xbf16>
    %dot_general3A = arith.constant dense<0.000000e+00> : vector<1600x256xf32>
    %dot_general3A_30 = tpu.matmul %concatenate3A, %get3A_29, %dot_general3A {dimension_numbers = #tpu.dot_dimension_numbers<[1], [0], [0], [1], [0, 0, 1, 1], [], []>, transpose_lhs_hint = false} : vector<1600x256xbf16>, vector<256x256xbf16>, vector<1600x256xf32> -> vector<1600x256xf32>
    %get3A_31 = arith.constant 0 : index
    %get3A_32 = arith.constant 0 : index
    %get3A_33 = vector.load %arg4[%get3A_31, %get3A_32] : memref<1x256xf32, #tpu.memory_space<vmem>>, vector<1x256xf32>
    %add3A_34 = vector.broadcast %get3A_33 : vector<1x256xf32> to vector<1600x256xf32>
    %add3A_35 = arith.addf %dot_general3A_30, %add3A_34 : vector<1600x256xf32>
    %swap3A = arith.constant 0 : index
    %swap3A_36 = arith.constant 0 : index
    %swap3A_37 = vector.load %arg5[%swap3A, %swap3A_36] : memref<1600x256xf32, #tpu.memory_space<vmem>>, vector<1600x256xf32>
    tpu.vector_store %arg5[%swap3A, %swap3A_36], %add3A_35 {strides = array<i32>} : memref<1600x256xf32, #tpu.memory_space<vmem>>, vector<1600x256xf32>,
    return
  }
  func.func @transform_0(%arg0: i32) -> (i32, i32) {
    %c0_i32 = arith.constant 0 : i32
    %c0_i32_0 = arith.constant 0 : i32
    return %arg0, %c0_i32 : i32, i32
  }
  func.func @transform_1(%arg0: i32) -> (i32, i32) {
    %c0_i32 = arith.constant 0 : i32
    %c0_i32_0 = arith.constant 0 : i32
    return %arg0, %c0_i32 : i32, i32
  }
  func.func @transform_2(%arg0: i32) -> (i32, i32) {
    %c0_i32 = arith.constant 0 : i32
    %c0_i32_0 = arith.constant 0 : i32
    %c0_i32_1 = arith.constant 0 : i32
    return %c0_i32, %c0_i32_0 : i32, i32
  }
  func.func @transform_3(%arg0: i32) -> (i32, i32) {
    %c0_i32 = arith.constant 0 : i32
    %c0_i32_0 = arith.constant 0 : i32
    %c0_i32_1 = arith.constant 0 : i32
    return %c0_i32, %c0_i32_0 : i32, i32
  }
  func.func @transform_4(%arg0: i32) -> (i32, i32) {
    %c0_i32 = arith.constant 0 : i32
    %c0_i32_0 = arith.constant 0 : i32
    return %arg0, %c0_i32 : i32, i32
  }
}

</mosaic_0001>

<sc_bundles>
// kernel: kernel.5.cloned.1.call-start
scs
__scs_entry_jumppad:
0x0: {  	(pc) =	sbr.rel $0x88, $3  }
0x1: {  	(tag) =	ssettag $0x0;
	lr =	simm.s32 $0x1  }
0x2: {  	[smem:$0x3F9B] =	sst lr;
	_ =	strace $0xD0000000  }
0x3: {  	_ = 	snop  }
0x4: {  	_ = 	snop  }
0x5: {  	_ = 	snop  }
0x6: {  	_ = 	snop  }
0x7: {  	_ = 	snop  }
__scs_overlays_trampoline_lowered:
0x8: {  	[smem:$0x3FAA] =	sst s0  }
0x9: {  	[smem:$0x3FAB] =	sst s1  }
0xa: {  	[smem:$0x3FAC] =	sst s2  }
0xb: {  	[smem:$0x3FAD] =	sst s3  }
0xc: {  	[smem:$0x3FAE] =	sst s4  }
0xd: {  	[smem:$0x3FAF] =	sst s5  }
0xe: {  	[smem:$0x3FB0] =	sst s6  }
0xf: {  	[smem:$0x3FB1] =	sst s7  }
0x10: {  	[smem:$0x3FB2] =	sst s8  }
0x11: {  	[smem:$0x3FB3] =	sst s9;
	s0 =	simm.s32 @!p0 $0x0  }
0x12: {  	s1 =	sld [smem:$0x3F99];
	s0 =	simm.s32 @p0 $0x1  }
0x13: {  	[smem:$0x3FB4] =	sst s0;
	s0 =	simm.s32 @!p1 $0x0  }
0x14: {  	s2 =	sld [smem:$0x3F98];
	s0 =	simm.s32 @p1 $0x1  }
0x15: {  	[smem:$0x3FB5] =	sst s0;
	s0 =	simm.s32 @!p2 $0x0  }
0x16: {  	s3 =	sld [smem:$0x3FDB];
	s0 =	simm.s32 @p2 $0x1  }
0x17: {  	s4 =	simm.s32 $0x1BF5;
	[smem:$0x3FB7] =	sst s0  }
0x18: {  	s0 =	sld [smem:$0x3F9A];
	_ =	swait.ge [sflag:s4], $0x0  }
0x19: {  	s7 =	sld [smem:$0x3F9B]  }
0x1a: {  	s8 =	sadd.s32 $0xFFFFE003, lr  }
0x1b: {  	s9 =	sadd.s32 $0xFFFFFEF7, lr;
	s5 =	simm.s32 $0xFFFFFFFF;
	p2 =	slt.u32 s8, $0xFFFFF086  }
0x1c: {  	p1 =	slt.u32 s9, $0xF7A;
	s5 =	simm.s32 @!p2 $0x0  }
0x1d: {  	s5 =	simm.s32 @p1 $0x1;
	p0 =	seq.s32 s7, s2  }
0x1e: {  	s7 =	smul.u32 @!p0 $0xF7A, s2;
	p2 =	seq.s32 @!p0 s5, $0x0  }
0x1f: {  	s9 =	smul.u32 $0xF7A, s1;
	s8 =	simm.s32 @!p0 $0x1BF5;
	p2 =	por !p2, p0  }
0x20: {  	[sflag:s8] =	ssyncset.s32 @!p0 $0xFFFFF086;
	s6 =	sadd.s32 @!p0 s3, s7;
	s7 =	simm.s32 @!p0 $0x108  }
0x21: {  	s3 =	sadd.s32 s3, s9;
	s6 =	sadd.s32 @!p0 $0x88, s6;
	s7 =	simm.s32 @p2 $0x1082  }
0x22: {  	[simem:s7], [sflag:s8] =	dma.local @!p0 [hbm:s6], $0xF7A  }
0x23: {  	s9 =	sor.u32 $0xD0000000, s2;
	s6 =	simm.s32 $0x108;
	_ =	swait.ge @!p0 [sflag:s8], $0x0  }
0x24: {  	s3 =	sadd.s32 $0x88, s3;
	s6 =	simm.s32 @!p1 $0x1082;
	[sflag:s4] =	ssyncset.s32 $0xFFFFF086  }
0x25: {  	[simem:s6], [sflag:s4] =	dma.local [hbm:s3], $0xF7A  }
0x26: {  	[smem:$0x3F9B] =	sst s1;
	(tag) =	ssettag s2;
	_ =	strace s9  }
0x27: {  	s1 =	sld [smem:$0x3FAB]  }
0x28: {  	s2 =	sld [smem:$0x3FAC]  }
0x29: {  	s4 =	sld [smem:$0x3FAE]  }
0x2a: {  	p0 =	seq.s32 s5, $0x0;
	s5 =	sld [smem:$0x3FAF]  }
0x2b: {  	s6 =	sld [smem:$0x3FB0]  }
0x2c: {  	s7 =	sld [smem:$0x3FB1]  }
0x2d: {  	s3 =	simm.s32 $0x108;
	s8 =	sld [smem:$0x3FB2]  }
0x2e: {  	s3 =	simm.s32 @!p0 $0x1082;
	s9 =	sld [smem:$0x3FB3]  }
0x2f: {  	lr =	sadd.s32 s0, s3;
	s0 =	sld [smem:$0x3FAA]  }
0x30: {  	s3 =	sld [smem:$0x3FAD]  }
0x31: {  	[smem:$0x3FB6] =	sst s10  }
0x32: {  	s10 =	sld [smem:$0x3FB4];
	_ =	sdelay $0x3  }
0x33: {  	p0 =	seq.s32 s10, $0x1;
	s10 =	sld [smem:$0x3FB6];
	_ =	sdelay $0x3  }
0x34: {  	[smem:$0x3FB6] =	sst s10  }
0x35: {  	s10 =	sld [smem:$0x3FB5];
	_ =	sdelay $0x3  }
0x36: {  	p1 =	seq.s32 s10, $0x1;
	s10 =	sld [smem:$0x3FB6];
	_ =	sdelay $0x3  }
0x37: {  	[smem:$0x3FB6] =	sst s10  }
0x38: {  	s10 =	sld [smem:$0x3FB7]  }
0x39: {  	_ = 	snop;
	(pc) =	sbr.ind lr, $3  }
0x3a: {  	_ = 	snop  }
0x3b: {  	_ = 	snop  }
0x3c: {  	p2 =	seq.s32 s10, $0x1;
	s10 =	sld [smem:$0x3FB6]  }
0x3d: {  	_ =	shalt  }
0x3e: {  	_ =	shalt  }
0x3f: {  	_ =	shalt  }
0x40: {  	_ =	shalt  }
0x41: {  	_ =	shalt  }
0x42: {  	_ =	shalt  }
0x43: {  	_ =	shalt  }
0x44: {  	_ =	shalt  }
0x45: {  	_ =	shalt  }
0x46: {  	_ =	shalt  }
0x47: {  	_ =	shalt  }
0x48: {  	_ =	shalt  }
0x49: {  	_ =	shalt  }
0x4a: {  	_ =	shalt  }
0x4b: {  	_ =	shalt  }
0x4c: {  	_ =	shalt  }
0x4d: {  	_ =	shalt  }
0x4e: {  	_ =	shalt  }
0x4f: {  	_ =	shalt  }
0x50: {  	_ =	shalt  }
0x51: {  	_ =	shalt  }
0x52: {  	_ =	shalt  }
0x53: {  	_ =	shalt  }
0x54: {  	_ =	shalt  }
0x55: {  	_ =	shalt  }
0x56: {  	_ =	shalt  }
0x57: {  	_ =	shalt  }
0x58: {  	_ =	shalt  }
0x59: {  	_ =	shalt  }
0x5a: {  	_ =	shalt  }
0x5b: {  	_ =	shalt  }
0x5c: {  	_ =	shalt  }
0x5d: {  	_ =	shalt  }
0x5e: {  	_ =	shalt  }
0x5f: {  	_ =	shalt  }
0x60: {  	_ =	shalt  }
0x61: {  	_ =	shalt  }
0x62: {  	_ =	shalt  }
0x63: {  	_ =	shalt  }
0x64: {  	_ =	shalt  }
0x65: {  	_ =	shalt  }
0x66: {  	_ =	shalt  }
0x67: {  	_ =	shalt  }
0x68: {  	_ =	shalt  }
0x69: {  	_ =	shalt  }
0x6a: {  	_ =	shalt  }
0x6b: {  	_ =	shalt  }
0x6c: {  	_ =	shalt  }
0x6d: {  	_ =	shalt  }
0x6e: {  	_ =	shalt  }
0x6f: {  	_ =	shalt  }
0x70: {  	_ =	shalt  }
0x71: {  	_ =	shalt  }
0x72: {  	_ =	shalt  }
0x73: {  	_ =	shalt  }
0x74: {  	_ =	shalt  }
0x75: {  	_ =	shalt  }
0x76: {  	_ =	shalt  }
0x77: {  	_ =	shalt  }
0x78: {  	_ =	shalt  }
0x79: {  	_ =	shalt  }
0x7a: {  	_ =	shalt  }
0x7b: {  	_ =	shalt  }
0x7c: {  	_ =	shalt  }
0x7d: {  	_ =	shalt  }
0x7e: {  	_ =	shalt  }
0x7f: {  	_ =	shalt  }
0x80: {  	_ =	shalt  }
0x81: {  	_ =	shalt  }
0x82: {  	_ =	shalt  }
0x83: {  	_ =	shalt  }
0x84: {  	_ =	shalt  }
0x85: {  	_ =	shalt  }
0x86: {  	_ =	shalt  }
0x87: {  	_ =	shalt  }
.Lfunc_end0:
.L_simem_size_0:
called_computation_lowered:
.L_overlay_start_0:
0x88: {  	s2 =	sld [smem:$0x3FD9]  }
0x89: {  	s3 =	sld [smem:$0x3FFE];
	_ =	sdelay $0x1  }
0x8a: {  	s1 =	srdreg.scid  }
0x8b: {  	s0 =	sand.u32 $0x1, s1  }
0x8c: {  	s17 =	sshll.u32 s0, $0xA;
	s2 =	sadd.s32 s3, s2  }
0x8d: {  	s2 =	sadd.s32 s2, s17  }
0x8e: {  	[smem:$0x3FC2] =	sst s2  }
0x8f: {  	_ = 	snop  }
0x90: {  	s2 =	sld [smem:$0x3FD0];
	(tm) =	ssettm $0x1  }
0x91: {  	s18 =	sld [smem:$0x3FFB];
	_ =	sdelay $0x3  }
0x92: {  	_ =	strace s18  }
0x93: {  	s3 =	sld [smem:$0x3FFC];
	_ =	sdelay $0x3  }
0x94: {  	_ =	strace s3  }
0x95: {  	s3 =	sld [smem:$0x3FFD];
	_ =	sdelay $0x3  }
0x96: {  	_ =	strace s3  }
0x97: {  	_ =	strace $0x8FFFFFFF  }
0x98: {  	s19 =	sld [smem:$0x3FDB];
	_ =	sdelay $0x1  }
0x99: {  	s4 =	simm.s32 $_scs_section_size  }
0x9a: {  	s5 =	simm.s32 $_size__tile_overlayer_lowered;
	s6 =	simm.s32 $_tile_overlayer_lowered  }
0x9b: {  	s22 =	simm.s32 $0x1BFF;
	s21 =	sshll.u32 s6, $0x1;
	s3 =	sadd.s32 s4, s19  }
0x9c: {  	s7 =	simm.s32 $0x0;
	s20 =	sshll.u32 s5, $0x1;
	s5 =	sadd.s32 s21, s3  }
0x9d: {  	[timem:s7], [sflag:s22] =	dma.local [hbm:s5], s20  }
0x9e: {  	_ =	swait.ge [sflag:s22], s20  }
0x9f: {  	s4 =	ssub.s32 $0x0, s20;
	[sflag:s22] =	ssyncset.done $0x0  }
0xa0: {  	[sflag:s22] =	ssyncadd.s32 s4;
	_ =	sdelay $0x1  }
0xa1: {  	s23 =	simm.s32 $0x1B8B  }
0xa2: {  	_ =	swait.ge [sflag:s23], $0x1  }
0xa3: {  	[sflag:s23] =	ssyncset.done $0x0  }
0xa4: {  	s25 =	simm.s32 $0x1B8E;
	s24 =	sld [smem:$0x3FFE];
	[sflag:s23] =	ssyncadd.s32 $0xFFFFFFFF  }
0xa5: {  	s26 =	simm.s32 $execute0_lowered;
	[smem:$0x3FD2] =	sst s25  }
0xa6: {  	s5 =	sshll.u32 s26, $0x1;
	_ =	strace $0x80000046;
	[dreg:$0x1] =	wrdreg $0xFFFFFFFF  }
0xa7: {  	s28 =	simm.s32 $_size_execute0_lowered;
	s3 =	sadd.s32 s3, s5;
	[dreg:$0x0] =	wrdreg $0x0  }
0xa8: {  	s5 =	sshll.u32 s28, $0x1;
	[dreg:$0x2] =	wrdreg s3  }
0xa9: {  	[dreg:$0x3] =	wrdreg s5  }
0xaa: {  	[dreg:$0x4] =	wrdreg $0xC0  }
0xab: {  	_ =	task [dreg:s7], $0x5FFFF  }
0xac: {  	[dreg:$0x1] =	wrdreg $0xFFFFFFFF  }
0xad: {  	[dreg:$0x0] =	wrdreg $0x60  }
0xae: {  	[dreg:$0x2] =	wrdreg s2  }
0xaf: {  	[dreg:$0x3] =	wrdreg s24  }
0xb0: {  	[dreg:$0x4] =	wrdreg $0x9  }
0xb1: {  	_ =	task.clear_ibuf [dreg:s7], $0x5FFFF;
	_ =	strace $0x90000046  }
0xb2: {  	s29 =	simm.s32 $0x9;
	_ =	strace $0x80000048  }
0xb3: {  	_ =	swait.ge [sflag:s29], $0x1  }
0xb4: {  	[sflag:s29] =	ssyncadd.s32 $0xFFFFFFFF  }
0xb5: {  	_ =	strace $0x90000048  }
0xb6: {  	_ =	sfence  }
0xb7: {  	s30 =	sld [smem:$0x0];
	_ =	sdelay $0x2  }
0xb8: {  	s31 =	sshll.u32 s1, $0xD;
	s1 =	sshrl.u32 s1, $0x2  }
0xb9: {  	s3 =	sand.u32 $0x4000, s31;
	s1 =	sadd.s32 s1, s30  }
0xba: {  	s0 =	sor.u32 s3, s0;
	s1 =	sshll.u32 s1, $0x11  }
0xbb: {  	s0 =	sor.u32 s1, s0  }
0xbc: {  	s0 =	sadd.s32 $0x8F2B, s0  }
0xbd: {  	[sflag:s0] =	ssyncadd.remote.s32 $0x1  }
0xbe: {  	_ =	sfence.sel $0xFFFF  }
0xbf: {  	[dreg:$0x0] =	wrdreg $0xFFFFFFFF;
	(pc) =	sbr.abs _section_cstart, $3  }
0xc0: {  	[dreg:$0x1] =	wrdreg $0xFFFFFFFF  }
0xc1: {  	_ =	task.clear_ibuf [dreg:s7], $0x2FFFF;
	_ =	strace $0x9FFFFFFF  }
0xc2: {  	(tm) =	ssettm $0x7FFFFFFF  }
0xc3: {  	_ =	shalt  }
tec
execute0_lowered:
.L_overlay_start_1:
0x0: {  	(tag) =	ssettag $0x1  }
0x1: {  	s2 =	rddreg [dreg:$0x0]  }
0x2: {  	s0 =	rddreg [dreg:$0x1];
	s3 =	stileid.u32  }
0x3: {  	s1 =	srdreg.scid;
	s12 =	simm.s32 $0x40;
	s18 =	simm.s32 $0x7400  }
0x4: {  	s20 =	simm.s32 $0xF400;
	s21 =	simm.s32 $0x1;
	s22 =	simm.s32 $0x5  }
0x5: {  	s24 =	simm.s32 $0x9400;
	s28 =	simm.s32 $0x2;
	s29 =	simm.s32 $0x6  }
0x6: {  	s31 =	simm.s32 $0xB400;
	s11 =	simm.s32 $0x3;
	s13 =	simm.s32 $0x7  }
0x7: {  	s15 =	simm.s32 $0x4;
	s7 =	simm.s32 $0xE;
	s16 =	simm.s32 $0x0  }
0x8: {  	s5 =	smul.u32 $0x50, s3;
	s3 =	simm.s32 $0x0;
	s1 =	sand.u32 $0x1, s1  }
0x9: {  	s4 =	sadd.s32 $0x15C00, s0;
	p0 =	seq.s32 s1, $0x0;
	s1 =	ssub.s32 $0x2, s1  }
0xa: {  	[smem:$0x7FF] =	sst s3;
	s6 =	sadd.s32 $0x500, s5;
	s26 =	sshrl.u32 s1, $0x1  }
0xb: {  	_ =	strace $0x80000047;
	s6 =	smov.u32 @p0 s5;
	s1 =	ssub.s32 s1, s26  }
0xc: {  	s26 =	simm.s32 $0x11400;
	s5 =	sshll.u32 s6, $0x4;
	s6 =	sshll.u32 s6, $0xA  }
.Ltmp0:
0xd: {  	s1 =	smax.u32 s1, $0x1;
	s5 =	sadd.s32 s5, s0;
	(pc) =	sbr.rel .LBB2_1-.Ltmp0, $4  }
0xe: {  	s0 =	sadd.s32 s6, s0;
	[dreg:$0x5] =	wrdreg s1;
	s1 =	simm.s32 $0x5380  }
0xf: {  	s6 =	simm.s32 $0xA;
	s30 =	sadd.s32 $0x1000, s5;
	s5 =	sadd.s32 $0xB600, s5  }
0x10: {  	s8 =	sadd.s32 $0x2BCE00, s0;
	s9 =	sadd.s32 $0x3CE00, s0;
	[dreg:$0x3] =	wrdreg s30  }
0x11: {  	s0 =	simm.s32 $0x13400;
	[dreg:$0x4] =	wrdreg s5;
	s5 =	simm.s32 $0x8  }
.LBB2_4:
0x12: {  	s10 =	simm.s32 $0x9  }
0x13: {  	_ =	swait.ge [sflag:s10], $0x2000  }
0x14: {  	[sflag:s10] =	ssyncset.done $0x0  }
0x15: {  	s17 =	simm.s32 $0xD;
	[sflag:s10] =	ssyncadd.s32 $0xFFFFE000  }
0x16: {  	_ =	swait.ge [sflag:s17], $0x2000  }
0x17: {  	[sflag:s17] =	ssyncset.done $0x0  }
0x18: {  	[sflag:s17] =	ssyncadd.s32 $0xFFFFE000  }
0x19: {  	_ =	swait.ge [sflag:s6], $0x2000  }
0x1a: {  	[sflag:s6] =	ssyncset.done $0x0  }
0x1b: {  	[sflag:s6] =	ssyncadd.s32 $0xFFFFE000  }
0x1c: {  	_ =	swait.ge [sflag:s7], $0x2000  }
0x1d: {  	[sflag:s7] =	ssyncset.done $0x0  }
0x1e: {  	s19 =	simm.s32 $0xB;
	[sflag:s7] =	ssyncadd.s32 $0xFFFFE000  }
0x1f: {  	_ =	swait.ge [sflag:s19], $0x2000  }
0x20: {  	[sflag:s19] =	ssyncset.done $0x0  }
0x21: {  	s23 =	simm.s32 $0xF;
	[sflag:s19] =	ssyncadd.s32 $0xFFFFE000  }
0x22: {  	_ =	swait.ge [sflag:s23], $0x2000  }
0x23: {  	[sflag:s23] =	ssyncset.done $0x0  }
0x24: {  	s25 =	simm.s32 $0xC;
	[sflag:s23] =	ssyncadd.s32 $0xFFFFE000  }
0x25: {  	_ =	swait.ge [sflag:s25], $0x2000  }
0x26: {  	[sflag:s25] =	ssyncset.done $0x0  }
0x27: {  	s14 =	simm.s32 $0x10;
	[sflag:s25] =	ssyncadd.s32 $0xFFFFE000  }
0x28: {  	_ =	swait.ge [sflag:s14], $0x2000  }
0x29: {  	s16 =	rddreg [dreg:$0x6]  }
0x2a: {  	s30 =	rddreg [dreg:$0x5];
	s16 =	sadd.s32 $0x1, s16  }
0x2b: {  	p0 =	sne.s32 s16, s30  }
.Ltmp1:
0x2c: {  	_ = 	snop;
	(pc) =	sbr.rel @!p0 .LBB2_5-.Ltmp1, $3  }
0x2d: {  	_ =	sdelay $0x1  }
0x2e: {  	[sflag:s14] =	ssyncset.done $0x0  }
0x2f: {  	[sflag:s14] =	ssyncadd.s32 $0xFFFFE000  }
.LBB2_1:
0x30: {  	[dreg:$0x6] =	wrdreg s16  }
0x31: {  	s10 =	rddreg [dreg:$0x3];
	s14 =	simm.s32 $0x11  }
0x32: {  	[tilespmem:s3], [sflag:$0x11] =	stream.linear.gather [hbm4b:s10+s3], $0x2800, $0x38;
	[tilespmem:$0x15400] =	vst v63  }
0x33: {  	_ =	swait.ge [sflag:s14], $0x2800  }
0x34: {  	[sflag:s14] =	ssyncset.done $0x0  }
0x35: {  	s30 =	simm.s32 $0x2800;
	s25 =	rddreg [dreg:$0x4];
	[sflag:s14] =	ssyncadd.s32 $0xFFFFD800  }
0x36: {  	[tilespmem:s30], [sflag:$0x11] =	stream.linear.gather [hbm4b:s25+s3], $0x2800, $0x38;
	[tilespmem:$0x15400] =	vst v63  }
0x37: {  	_ =	swait.ge [sflag:s14], $0x2800  }
0x38: {  	[sflag:s14] =	ssyncset.done $0x0  }
0x39: {  	[sflag:s14] =	ssyncadd.s32 $0xFFFFD800  }
0x3a: {  	v0 =	vld [tilespmem:$0x0]  }
0x3b: {  	v1 =	vld [tilespmem:$0x2800]  }
0x3c: {  	v2 =	vld [tilespmem:$0x10]  }
0x3d: {  	v3 =	vld [tilespmem:$0x2810]  }
0x3e: {  	v4 =	vld [tilespmem:$0x20]  }
0x3f: {  	v53 =	vld [tilespmem:$0x2820];
	[tilespmem:$0x5000] =	vst v0  }
0x40: {  	v54 =	vld [tilespmem:$0x30];
	[tilespmem:$0x5200] =	vst v1  }
0x41: {  	v55 =	vld [tilespmem:$0x2830];
	[tilespmem:$0x5010] =	vst v2  }
0x42: {  	[tilespmem:$0x5210] =	vst v3  }
0x43: {  	[tilespmem:$0x5020] =	vst v4  }
0x44: {  	[tilespmem:$0x5220] =	vst v53  }
0x45: {  	[tilespmem:$0x5030] =	vst v54  }
0x46: {  	s16 =	simm.s32 $0x5000;
	s17 =	simm.s32 $0x5400;
	[tilespmem:$0x5230] =	vst v55  }
0x47: {  	[tilespmem:s17], [sflag:$0x1] =	stream.indirect.gather [hbm4b:s2+s12], $0x80, s16, s12, $0xb8;
	[tilespmem:$0x15400] =	vst v63  }
0x48: {  	s19 =	simm.s32 $0x5200;
	s23 =	simm.s32 $0xD400  }
0x49: {  	[tilespmem:s23], [sflag:$0x5] =	stream.indirect.gather [hbm4b:s4+s12], $0x80, s19, s12, $0xb8;
	[tilespmem:$0x15400] =	vst v63  }
0x4a: {  	v56 =	vld [tilespmem:$0x80]  }
0x4b: {  	v57 =	vld [tilespmem:$0x2880]  }
0x4c: {  	v58 =	vld [tilespmem:$0x90]  }
0x4d: {  	v59 =	vld [tilespmem:$0x2890]  }
0x4e: {  	v60 =	vld [tilespmem:$0xA0]  }
0x4f: {  	v61 =	vld [tilespmem:$0x28A0];
	[tilespmem:$0x5080] =	vst v56  }
0x50: {  	v62 =	vld [tilespmem:$0xB0];
	[tilespmem:$0x5280] =	vst v57  }
0x51: {  	v63 =	vld [tilespmem:$0x28B0];
	[tilespmem:$0x5090] =	vst v58  }
0x52: {  	[tilespmem:$0x5290] =	vst v59  }
0x53: {  	[tilespmem:$0x50A0] =	vst v60  }
0x54: {  	[tilespmem:$0x52A0] =	vst v61  }
0x55: {  	[tilespmem:$0x50B0] =	vst v62  }
0x56: {  	s10 =	simm.s32 $0x2980;
	s25 =	simm.s32 $0x5080;
	[tilespmem:$0x52B0] =	vst v63  }
0x57: {  	[tilespmem:s18], [sflag:$0x2] =	stream.indirect.gather [hbm4b:s2+s12], $0x80, s25, s12, $0xb8;
	[tilespmem:$0x15400] =	vst v63  }
0x58: {  	s30 =	simm.s32 $0x5280;
	s17 =	simm.s32 $0x180;
	s19 =	simm.s32 $0x0  }
0x59: {  	[tilespmem:s20], [sflag:$0x6] =	stream.indirect.gather [hbm4b:s4+s12], $0x80, s30, s12, $0xb8;
	[tilespmem:$0x15400] =	vst v63  }
.LBB2_2:
0x5a: {  	_ =	swait.ge [sflag:s21], $0x2000  }
0x5b: {  	[sflag:s21] =	ssyncset.done $0x0  }
0x5c: {  	[sflag:s21] =	ssyncadd.s32 $0xFFFFE000  }
0x5d: {  	_ =	swait.ge [sflag:s22], $0x2000  }
0x5e: {  	s14 =	sadd.s32 s19, s9;
	[sflag:s22] =	ssyncset.done $0x0  }
0x5f: {  	s16 =	simm.s32 $0x5400;
	p0 =	seq.s32 s19, $0x0;
	[sflag:s22] =	ssyncadd.s32 $0xFFFFE000  }
0x60: {  	[hbm4b:s14+s3] =	stream.linear.scatter [tilespmem:s16], [sflag:$0x9], $0x2000, $0x38;
	[tilespmem:$0x15400] =	vst v63  }
0x61: {  	s23 =	sadd.s32 s19, s8;
	s30 =	simm.s32 $0xD400;
	s16 =	simm.s32 @!p0 $0xB  }
0x62: {  	[hbm4b:s23+s3] =	stream.linear.scatter [tilespmem:s30], [sflag:$0xD], $0x2000, $0x38;
	[tilespmem:$0x15400] =	vst v63  }
0x63: {  	_ =	swait.ge @!p0 [sflag:s16], $0x2000  }
0x64: {  	[sflag:s16] =	ssyncset.done @!p0 $0x0  }
0x65: {  	[sflag:s16] =	ssyncadd.s32 @!p0 $0xFFFFE000;
	s16 =	simm.s32 @!p0 $0xF  }
0x66: {  	_ =	swait.ge @!p0 [sflag:s16], $0x2000  }
0x67: {  	[sflag:s16] =	ssyncset.done @!p0 $0x0  }
0x68: {  	[sflag:s16] =	ssyncadd.s32 @!p0 $0xFFFFE000  }
0x69: {  	v0 =	vld [tilespmem:s17+$0xFFFFFF80];
	_ =	sdelay $0x4  }
0x6a: {  	[tilespmem:$0x5100] =	vst v0  }
0x6b: {  	v0 =	vld [tilespmem:s10+$0xFFFFFF80];
	_ =	sdelay $0x4  }
0x6c: {  	[tilespmem:$0x5300] =	vst v0  }
0x6d: {  	v0 =	vld [tilespmem:s17+$0xFFFFFF90];
	_ =	sdelay $0x4  }
0x6e: {  	[tilespmem:$0x5110] =	vst v0  }
0x6f: {  	v0 =	vld [tilespmem:s10+$0xFFFFFF90];
	_ =	sdelay $0x4  }
0x70: {  	[tilespmem:$0x5310] =	vst v0  }
0x71: {  	v0 =	vld [tilespmem:s17+$0xFFFFFFA0];
	_ =	sdelay $0x4  }
0x72: {  	[tilespmem:$0x5120] =	vst v0  }
0x73: {  	v0 =	vld [tilespmem:s10+$0xFFFFFFA0];
	_ =	sdelay $0x4  }
0x74: {  	[tilespmem:$0x5320] =	vst v0  }
0x75: {  	v0 =	vld [tilespmem:s17+$0xFFFFFFB0];
	_ =	sdelay $0x4  }
0x76: {  	[tilespmem:$0x5130] =	vst v0  }
0x77: {  	v0 =	vld [tilespmem:s10+$0xFFFFFFB0];
	_ =	sdelay $0x4  }
0x78: {  	s25 =	simm.s32 $0x5100;
	[tilespmem:$0x5330] =	vst v0  }
0x79: {  	[tilespmem:s24], [sflag:$0x3] =	stream.indirect.gather [hbm4b:s2+s12], $0x80, s25, s12, $0xb8;
	[tilespmem:$0x15400] =	vst v63  }
0x7a: {  	s30 =	simm.s32 $0x5300  }
0x7b: {  	[tilespmem:s26], [sflag:$0x7] =	stream.indirect.gather [hbm4b:s4+s12], $0x80, s30, s12, $0xb8;
	[tilespmem:$0x15400] =	vst v63  }
0x7c: {  	_ =	swait.ge [sflag:s28], $0x2000  }
0x7d: {  	[sflag:s28] =	ssyncset.done $0x0  }
0x7e: {  	[sflag:s28] =	ssyncadd.s32 $0xFFFFE000  }
0x7f: {  	_ =	swait.ge [sflag:s29], $0x2000  }
0x80: {  	[sflag:s29] =	ssyncset.done $0x0  }
0x81: {  	s25 =	sadd.s32 $0x400, s14;
	[sflag:s29] =	ssyncadd.s32 $0xFFFFE000  }
0x82: {  	[hbm4b:s25+s3] =	stream.linear.scatter [tilespmem:s18], [sflag:$0xA], $0x2000, $0x38;
	[tilespmem:$0x15400] =	vst v63  }
0x83: {  	s16 =	simm.s32 @!p0 $0xC;
	s30 =	sadd.s32 $0x400, s23  }
0x84: {  	[hbm4b:s30+s3] =	stream.linear.scatter [tilespmem:s20], [sflag:$0xE], $0x2000, $0x38;
	[tilespmem:$0x15400] =	vst v63  }
0x85: {  	_ =	swait.ge @!p0 [sflag:s16], $0x2000  }
0x86: {  	[sflag:s16] =	ssyncset.done @!p0 $0x0  }
0x87: {  	[sflag:s16] =	ssyncadd.s32 @!p0 $0xFFFFE000;
	s16 =	simm.s32 @!p0 $0x10  }
0x88: {  	_ =	swait.ge @!p0 [sflag:s16], $0x2000  }
0x89: {  	[sflag:s16] =	ssyncset.done @!p0 $0x0  }
0x8a: {  	[sflag:s16] =	ssyncadd.s32 @!p0 $0xFFFFE000  }
0x8b: {  	v63 =	vld [tilespmem:s17+$0x0];
	_ =	sdelay $0x4  }
0x8c: {  	[tilespmem:$0x5180] =	vst v63  }
0x8d: {  	v0 =	vld [tilespmem:s10+$0x0];
	_ =	sdelay $0x4  }
0x8e: {  	[tilespmem:$0x5380] =	vst v0  }
0x8f: {  	v0 =	vld [tilespmem:s17+$0x10];
	_ =	sdelay $0x4  }
0x90: {  	[tilespmem:$0x5190] =	vst v0  }
0x91: {  	v0 =	vld [tilespmem:s10+$0x10];
	_ =	sdelay $0x4  }
0x92: {  	[tilespmem:$0x5390] =	vst v0  }
0x93: {  	v0 =	vld [tilespmem:s17+$0x20];
	_ =	sdelay $0x4  }
0x94: {  	[tilespmem:$0x51A0] =	vst v0  }
0x95: {  	v0 =	vld [tilespmem:s10+$0x20];
	_ =	sdelay $0x4  }
0x96: {  	[tilespmem:$0x53A0] =	vst v0  }
0x97: {  	v0 =	vld [tilespmem:s17+$0x30];
	_ =	sdelay $0x4  }
0x98: {  	[tilespmem:$0x51B0] =	vst v0  }
0x99: {  	v0 =	vld [tilespmem:s10+$0x30];
	_ =	sdelay $0x4  }
0x9a: {  	s25 =	simm.s32 $0x5180;
	[tilespmem:$0x53B0] =	vst v0  }
0x9b: {  	[tilespmem:s31], [sflag:$0x4] =	stream.indirect.gather [hbm4b:s2+s12], $0x80, s25, s12, $0xb8;
	[tilespmem:$0x15400] =	vst v63  }
0x9c: {  	_ = 	snop  }
0x9d: {  	[tilespmem:s0], [sflag:$0x8] =	stream.indirect.gather [hbm4b:s4+s12], $0x80, s1, s12, $0xb8;
	[tilespmem:$0x15400] =	vst v63  }
0x9e: {  	_ =	swait.ge [sflag:s11], $0x2000  }
0x9f: {  	[sflag:s11] =	ssyncset.done $0x0  }
0xa0: {  	[sflag:s11] =	ssyncadd.s32 $0xFFFFE000  }
0xa1: {  	_ =	swait.ge [sflag:s13], $0x2000  }
0xa2: {  	[sflag:s13] =	ssyncset.done $0x0  }
0xa3: {  	s30 =	sadd.s32 $0x800, s14;
	p0 =	seq.s32 s19, $0x13000;
	[sflag:s13] =	ssyncadd.s32 $0xFFFFE000  }
0xa4: {  	[hbm4b:s30+s3] =	stream.linear.scatter [tilespmem:s24], [sflag:$0xB], $0x2000, $0x38;
	[tilespmem:$0x15400] =	vst v63  }
0xa5: {  	s16 =	simm.s32 @!p0 $0x9;
	s25 =	sadd.s32 $0x800, s23  }
0xa6: {  	[hbm4b:s25+s3] =	stream.linear.scatter [tilespmem:s26], [sflag:$0xF], $0x2000, $0x38;
	[tilespmem:$0x15400] =	vst v63  }
0xa7: {  	_ =	swait.ge @!p0 [sflag:s16], $0x2000  }
0xa8: {  	[sflag:s16] =	ssyncset.done @!p0 $0x0  }
0xa9: {  	[sflag:s16] =	ssyncadd.s32 @!p0 $0xFFFFE000;
	s16 =	simm.s32 @!p0 $0xD  }
0xaa: {  	_ =	swait.ge @!p0 [sflag:s16], $0x2000  }
0xab: {  	[sflag:s16] =	ssyncset.done @!p0 $0x0  }
0xac: {  	[sflag:s16] =	ssyncadd.s32 @!p0 $0xFFFFE000  }
0xad: {  	v0 =	vld @!p0 [tilespmem:s17+$0x80];
	_ =	sdelay $0x4  }
0xae: {  	[tilespmem:$0x5000] =	vst @!p0 v0  }
0xaf: {  	v0 =	vld @!p0 [tilespmem:s10+$0x80];
	_ =	sdelay $0x4  }
0xb0: {  	[tilespmem:$0x5200] =	vst @!p0 v0  }
0xb1: {  	v0 =	vld @!p0 [tilespmem:s17+$0x90];
	_ =	sdelay $0x4  }
0xb2: {  	[tilespmem:$0x5010] =	vst @!p0 v0  }
0xb3: {  	v0 =	vld @!p0 [tilespmem:s10+$0x90];
	_ =	sdelay $0x4  }
0xb4: {  	[tilespmem:$0x5210] =	vst @!p0 v0  }
0xb5: {  	v0 =	vld @!p0 [tilespmem:s17+$0xA0];
	_ =	sdelay $0x4  }
0xb6: {  	[tilespmem:$0x5020] =	vst @!p0 v0  }
0xb7: {  	v0 =	vld @!p0 [tilespmem:s10+$0xA0];
	_ =	sdelay $0x4  }
0xb8: {  	[tilespmem:$0x5220] =	vst @!p0 v0  }
0xb9: {  	v0 =	vld @!p0 [tilespmem:s17+$0xB0];
	_ =	sdelay $0x4  }
0xba: {  	[tilespmem:$0x5030] =	vst @!p0 v0  }
0xbb: {  	v0 =	vld @!p0 [tilespmem:s10+$0xB0];
	_ =	sdelay $0x4  }
0xbc: {  	s30 =	simm.s32 @!p0 $0x5400;
	s25 =	simm.s32 @!p0 $0x5000;
	s16 =	simm.s32 @!p0 $0x40;
	[tilespmem:$0x5230] =	vst @!p0 v0  }
0xbd: {  	[tilespmem:s30], [sflag:$0x1] =	stream.indirect.gather @!p0 [hbm4b:s2+s16], $0x80, s25, s16, $0xb8;
	[tilespmem:$0x15400] =	vst v63  }
0xbe: {  	s25 =	simm.s32 @!p0 $0x5200;
	s30 =	simm.s32 @!p0 $0xD400  }
0xbf: {  	[tilespmem:s30], [sflag:$0x5] =	stream.indirect.gather @!p0 [hbm4b:s4+s16], $0x80, s25, s16, $0xb8;
	[tilespmem:$0x15400] =	vst v63  }
0xc0: {  	_ =	swait.ge [sflag:s15], $0x2000  }
0xc1: {  	[sflag:s15] =	ssyncset.done $0x0  }
0xc2: {  	[sflag:s15] =	ssyncadd.s32 $0xFFFFE000  }
0xc3: {  	_ =	swait.ge [sflag:s5], $0x2000  }
.Ltmp2:
0xc4: {  	[sflag:s5] =	ssyncset.done $0x0;
	(pc) =	sbr.rel @p0 .LBB2_4-.Ltmp2, $4  }
0xc5: {  	s14 =	sadd.s32 $0xC00, s14;
	[sflag:s5] =	ssyncadd.s32 $0xFFFFE000  }
0xc6: {  	[hbm4b:s14+s3] =	stream.linear.scatter [tilespmem:s31], [sflag:$0xC], $0x2000, $0x38;
	[tilespmem:$0x15400] =	vst v63  }
0xc7: {  	s30 =	sadd.s32 $0xC00, s23  }
0xc8: {  	[hbm4b:s30+s3] =	stream.linear.scatter [tilespmem:s0], [sflag:$0x10], $0x2000, $0x38;
	[tilespmem:$0x15400] =	vst v63  }
0xc9: {  	_ =	swait.ge [sflag:s6], $0x2000  }
0xca: {  	[sflag:s6] =	ssyncset.done $0x0  }
0xcb: {  	[sflag:s6] =	ssyncadd.s32 $0xFFFFE000  }
0xcc: {  	_ =	swait.ge [sflag:s7], $0x2000  }
0xcd: {  	[sflag:s7] =	ssyncset.done $0x0  }
0xce: {  	[sflag:s7] =	ssyncadd.s32 $0xFFFFE000  }
0xcf: {  	v0 =	vld [tilespmem:s17+$0x100];
	_ =	sdelay $0x4  }
0xd0: {  	[tilespmem:$0x5080] =	vst v0  }
0xd1: {  	v0 =	vld [tilespmem:s10+$0x100];
	_ =	sdelay $0x4  }
0xd2: {  	[tilespmem:$0x5280] =	vst v0  }
0xd3: {  	v0 =	vld [tilespmem:s17+$0x110];
	_ =	sdelay $0x4  }
0xd4: {  	[tilespmem:$0x5090] =	vst v0  }
0xd5: {  	v0 =	vld [tilespmem:s10+$0x110];
	_ =	sdelay $0x4  }
0xd6: {  	[tilespmem:$0x5290] =	vst v0  }
0xd7: {  	v0 =	vld [tilespmem:s17+$0x120];
	_ =	sdelay $0x4  }
0xd8: {  	[tilespmem:$0x50A0] =	vst v0  }
0xd9: {  	v0 =	vld [tilespmem:s10+$0x120];
	_ =	sdelay $0x4  }
0xda: {  	[tilespmem:$0x52A0] =	vst v0  }
0xdb: {  	v0 =	vld [tilespmem:s17+$0x130];
	_ =	sdelay $0x4  }
0xdc: {  	[tilespmem:$0x50B0] =	vst v0  }
0xdd: {  	v0 =	vld [tilespmem:s10+$0x130];
	_ =	sdelay $0x3  }
.Ltmp3:
0xde: {  	_ = 	snop;
	(pc) =	sbr.rel .LBB2_2-.Ltmp3, $4  }
0xdf: {  	s14 =	simm.s32 $0x5080;
	s30 =	simm.s32 $0x5280;
	[tilespmem:$0x52B0] =	vst v0  }
0xe0: {  	[tilespmem:s18], [sflag:$0x2] =	stream.indirect.gather [hbm4b:s2+s12], $0x80, s14, s12, $0xb8;
	[tilespmem:$0x15400] =	vst v63  }
0xe1: {  	s19 =	sadd.s32 $0x1000, s19;
	s17 =	sadd.s32 $0x200, s17;
	s10 =	sadd.s32 $0x200, s10  }
0xe2: {  	[tilespmem:s20], [sflag:$0x6] =	stream.indirect.gather [hbm4b:s4+s12], $0x80, s30, s12, $0xb8;
	[tilespmem:$0x15400] =	vst v63  }
.LBB2_5:
0xe3: {  	_ =	sfence.sel $0x180000  }
0xe4: {  	[bflag:$0x0] =	sbarrier.arrive $0xFFFF  }
0xe5: {  	_ =	strace $0x90000047  }
0xe6: {  	s0 =	stileid.u32;
	[bflag:$0x2] =	sbarrier.arrive $0xFFFF  }
0xe7: {  	p0 =	sne.s32 s0, $0x0;
	s0 =	rddreg [dreg:$0x2]  }
0xe8: {  	s0 =	sadd.s32 @!p0 $0x100000, s0  }
0xe9: {  	[sflag:s0] =	ssyncadd.tile.s32 @!p0 $0x1;
	_ =	shalt  }
.Lfunc_end2:
_tile_overlayer_lowered:
.L_overlay_start_2:
0xea: {  	(tag) =	ssettag $0x2  }
0xeb: {  	s0 =	rddreg [dreg:$0x0];
	s2 =	stileid.u32  }
0xec: {  	s1 =	rddreg [dreg:$0x1];
	p0 =	sne.s32 s2, $0x0  }
0xed: {  	s3 =	rddreg [dreg:$0x2];
	[bflag:$0x3] =	sbarrier.arrive $0xFFFF;
	s2 =	simm.s32 @!p0 $0x1C11  }
0xee: {  	[timem:s3], [sflag:s2] =	dma.local @!p0 [hbm:s0], s1  }
0xef: {  	s0 =	simm.s32 @!p0 $0x11  }
0xf0: {  	_ =	swait.ge @!p0 [sflag:s0], s1  }
0xf1: {  	s1 =	ssub.s32 @!p0 $0x0, s1;
	[sflag:s0] =	ssyncset.done @!p0 $0x0  }
0xf2: {  	[sflag:s0] =	ssyncadd.s32 @!p0 s1  }
0xf3: {  	[bflag:$0x3] =	sbarrier.arrive $0xFFFF  }
0xf4: {  	_ =	shalt  }

</sc_bundles>
